<compile_context>
chip_gen: v7x
topology: tpu7x:2x2x1
jax: 0.10.2.dev20260603
libtpu: 0.0.44.dev20260713+nightly
codegen_flags: <defaults>
</compile_context>

<pallas_src>
import functools

import jax
import jax.numpy as jnp
from jax import lax
from jax.experimental import pallas as pl
from jax.experimental.pallas import tpu as pltpu
from jax.experimental.pallas import tpu_sc as plsc


def _sc_gather_sum(idx_flat, emb_table, B, K, D):
    info = plsc.get_sparse_core_info()
    NW = info.num_cores * info.num_subcores
    assert B % NW == 0
    bpw = B // NW
    rows_pw = bpw * K
    CH = 128
    assert rows_pw % CH == 0
    nch = rows_pw // CH
    mesh = plsc.VectorSubcoreMesh(core_axis_name="c", subcore_axis_name="s")

    @functools.partial(
        pl.kernel,
        mesh=mesh,
        compiler_params=pltpu.CompilerParams(use_tc_tiling_on_sc=False),
        out_type=jax.ShapeDtypeStruct((B, D), jnp.float32),
        scratch_types=[
            pltpu.VMEM((rows_pw,), jnp.int32),
            pltpu.VMEM((rows_pw, D), jnp.float32),
            pltpu.VMEM((bpw, D), jnp.float32),
            pltpu.SemaphoreType.DMA,
        ],
    )
    def sc_kernel(idx_hbm, table_hbm, out_hbm, idx_v, rows_v, acc_v, sem):
        wid = lax.axis_index("s") * info.num_cores + lax.axis_index("c")
        rbase = wid * rows_pw
        pltpu.sync_copy(idx_hbm.at[pl.ds(rbase, rows_pw)], idx_v)
        copies = [
            pltpu.async_copy(
                table_hbm.at[idx_v.at[pl.ds(c * CH, CH)]],
                rows_v.at[pl.ds(c * CH, CH)],
                sem,
            )
            for c in range(nch)
        ]
        for cp in copies:
            cp.wait()

        def body(i, carry):
            a0 = jnp.zeros((16,), jnp.float32)
            a1 = jnp.zeros((16,), jnp.float32)
            for j in range(K):
                a0 = a0 + rows_v[i * K + j, pl.ds(0, 16)]
                a1 = a1 + rows_v[i * K + j, pl.ds(16, 16)]
            acc_v[i, pl.ds(0, 16)] = a0
            acc_v[i, pl.ds(16, 16)] = a1
            return carry

        lax.fori_loop(0, bpw, body, 0)
        pltpu.sync_copy(acc_v, out_hbm.at[pl.ds(wid * bpw, bpw)])

    return sc_kernel(idx_flat, emb_table)


def _fused_body(s_ref, w_ref, b_ref, o_ref):
    x = lax.dot_general(
        s_ref[...], w_ref[...], (((1,), (0,)), ((), ())),
        preferred_element_type=jnp.float32,
    ) + b_ref[...]
    s = jnp.sum(jnp.exp(x), axis=1, keepdims=True)
    o_ref[...] = (x - jnp.log(s)).astype(jnp.bfloat16)


def _tc_logsoftmax(summed, out_w, out_b):
    B, D = summed.shape
    V = out_w.shape[0]
    BT = 32
    nb = B // BT
    w_t = out_w.astype(jnp.bfloat16).T
    bp = out_b.reshape(1, V)
    s_bf = summed.astype(jnp.bfloat16)

    out_bf = pl.pallas_call(
        _fused_body,
        grid=(nb,),
        in_specs=[
            pl.BlockSpec((BT, D), lambda b: (b, 0)),
            pl.BlockSpec((D, V), lambda b: (0, 0)),
            pl.BlockSpec((1, V), lambda b: (0, 0)),
        ],
        out_specs=pl.BlockSpec((BT, V), lambda b: (b, 0)),
        out_shape=jax.ShapeDtypeStruct((B, V), jnp.bfloat16),
    )(s_bf, w_t, bp)
    return out_bf.astype(jnp.float32)


def kernel(inputs, emb_table, out_w, out_b):
    B, K = inputs.shape
    V, D = emb_table.shape
    idx_flat = inputs.reshape(-1).astype(jnp.int32)
    summed = _sc_gather_sum(idx_flat, emb_table, B, K, D)
    return _tc_logsoftmax(summed, out_w, out_b)

# --- scband reference (transcript-rebuilt; emitter-appended) ---
"""Pipeline reference for scband-cbow-26611617366375 (READ-ONLY COPY).

The authoritative reference and input builder live on the scoring server;
editing this copy changes nothing except your own understanding.
"""

import jax, jax.numpy as jnp
import numpy as np

VOCAB = 100000
CONTEXT = 10
EMBED = 32
BATCH = 4096

def setup_inputs(seed: int = 0) -> dict:
    key = jax.random.key(seed)
    k1, k2, k3, k4 = jax.random.split(key, 4)
    inputs = jax.random.randint(k1, (BATCH, 2 * CONTEXT), 0, VOCAB, dtype=jnp.int64 if jax.config.jax_enable_x64 else jnp.int32)
    emb_table = jax.random.normal(k2, (VOCAB, EMBED), dtype=jnp.float32) * 0.02
    out_w = jax.random.normal(k3, (VOCAB, EMBED), dtype=jnp.float32) * 0.02
    out_b = jax.random.normal(k4, (VOCAB,), dtype=jnp.float32) * 0.02
    return {"inputs": inputs, "emb_table": emb_table, "out_w": out_w, "out_b": out_b}

def reference(inputs, emb_table, out_w, out_b):
    # embedding lookup: [B, 2*C, E]
    embeds = jnp.take(emb_table, inputs, axis=0)
    embeds = embeds.reshape((inputs.shape[0], 2 * CONTEXT, -1))
    # sum over context window: [B, E]
    summed = jnp.sum(embeds, axis=1)
    # linear projection to vocab: [B, V]
    logits = summed @ out_w.T + out_b
    log_probs = jax.nn.log_softmax(logits, axis=1)
    return log_probs

if __name__ == "__main__":
    import jax
    _d = setup_inputs()
    print(jax.jit(kernel)(*tuple(_d.values())))

</pallas_src>

<mosaic_0001>
#map = affine_map<(d0, d1) -> (0)>
#map1 = affine_map<(d0, d1) -> (0, 0)>
module attributes {stable_mosaic.version = 14 : i64} {
  func.func @sc_kernel(%arg0: i32, %arg1: i32, %arg2: memref<81920xi32, #tpu.memory_space<hbm>>, %arg3: memref<100000x32xf32, #tpu.memory_space<hbm>>, %arg4: memref<4096x32xf32, #tpu.memory_space<hbm>>, %arg5: memref<2560xi32, #tpu.memory_space<vmem>>, %arg6: memref<2560x32xf32, #tpu.memory_space<vmem>>, %arg7: memref<128x32xf32, #tpu.memory_space<vmem>>, %arg8: memref<!tpu.dma_semaphore, #tpu.memory_space<semaphore_mem>>) attributes {dimension_semantics = [#tpu.dimension_semantics<core_parallel>, #tpu.dimension_semantics<subcore_parallel>], iteration_bounds = array<i64: 2, 16>, scalar_prefetch = 0 : i64, scratch_operands = 4 : i64, tpu.core_type = #tpu.core_type<sc_vector_subcore>, window_params = [{transform_indices = #map}, {transform_indices = #map1}, {transform_indices = #map1}]} {
    %mul3A = arith.constant 2 : i32
    %mul3A_0 = arith.muli %arg1, %mul3A : i32
    %add3A = arith.addi %mul3A_0, %arg0 : i32
    %mul3A_1 = arith.constant 2560 : i32
    %mul3A_2 = arith.muli %add3A, %mul3A_1 : i32
    "tpu.region"() ({
      %run_scoped3A = tpu.sem_alloc : memref<!tpu.dma_semaphore, #tpu.memory_space<semaphore_mem>>
      %dma_start3A_328 = tpu.memref_slice %arg2[%mul3A_2] : memref<81920xi32, #tpu.memory_space<hbm>> -> memref<2560xi32, #tpu.memory_space<hbm>>
      %dma_start3A_329 = tpu.memref_slice %arg2[%mul3A_2] : memref<81920xi32, #tpu.memory_space<hbm>> -> memref<2560xi32, #tpu.memory_space<hbm>>
      tpu.enqueue_dma source(%dma_start3A_329 : memref<2560xi32, #tpu.memory_space<hbm>>) target(%arg5 : memref<2560xi32, #tpu.memory_space<vmem>>) target_semaphore(%run_scoped3A : memref<!tpu.dma_semaphore, #tpu.memory_space<semaphore_mem>>)
      %dma_wait3A_330 = tpu.memref_slice %arg2[%mul3A_2] : memref<81920xi32, #tpu.memory_space<hbm>> -> memref<2560xi32, #tpu.memory_space<hbm>>
      %dma_wait3A_331 = tpu.memref_slice %arg2[%mul3A_2] : memref<81920xi32, #tpu.memory_space<hbm>> -> memref<2560xi32, #tpu.memory_space<hbm>>
      tpu.wait_dma2 semaphore(%run_scoped3A : memref<!tpu.dma_semaphore, #tpu.memory_space<semaphore_mem>>) src(%dma_wait3A_331 : memref<2560xi32, #tpu.memory_space<hbm>>) dst(%arg5 : memref<2560xi32, #tpu.memory_space<vmem>>)
      tpu.yield
    }) : () -> ()
    %dma_start3A = arith.constant 0 : i32
    %dma_start3A_3 = arith.constant 0 : i32
    %dma_start3A_4 = tpu.memref_slice %arg6[%dma_start3A, %dma_start3A_3] : memref<2560x32xf32, #tpu.memory_space<vmem>> -> memref<128x32xf32, #tpu.memory_space<vmem>>
    %dma_start3A_5 = arith.constant 0 : i32
    %dma_start3A_6 = tpu.memref_slice %arg5[%dma_start3A_5] : memref<2560xi32, #tpu.memory_space<vmem>> -> memref<128xi32, #tpu.memory_space<vmem>>
    %dma_start3A_7 = arith.constant 0 : i32
    %dma_start3A_8 = arith.constant 0 : i32
    %dma_start3A_9 = tpu.memref_slice %arg3[%dma_start3A_7, %dma_start3A_8] : memref<100000x32xf32, #tpu.memory_space<hbm>> -> memref<100000x32xf32, #tpu.memory_space<hbm>>
    tpu.enqueue_indirect_dma source(%dma_start3A_9 : memref<100000x32xf32, #tpu.memory_space<hbm>>) target(%dma_start3A_4 : memref<128x32xf32, #tpu.memory_space<vmem>>) offsets(%dma_start3A_6 : memref<128xi32, #tpu.memory_space<vmem>>) semaphore(%arg8 : memref<!tpu.dma_semaphore, #tpu.memory_space<semaphore_mem>>)
    %dma_start3A_10 = arith.constant 128 : i32
    %dma_start3A_11 = arith.constant 0 : i32
    %dma_start3A_12 = tpu.memref_slice %arg6[%dma_start3A_10, %dma_start3A_11] : memref<2560x32xf32, #tpu.memory_space<vmem>> -> memref<128x32xf32, #tpu.memory_space<vmem>>
    %dma_start3A_13 = arith.constant 128 : i32
    %dma_start3A_14 = tpu.memref_slice %arg5[%dma_start3A_13] : memref<2560xi32, #tpu.memory_space<vmem>> -> memref<128xi32, #tpu.memory_space<vmem>>
    %dma_start3A_15 = arith.constant 0 : i32
    %dma_start3A_16 = arith.constant 0 : i32
    %dma_start3A_17 = tpu.memref_slice %arg3[%dma_start3A_15, %dma_start3A_16] : memref<100000x32xf32, #tpu.memory_space<hbm>> -> memref<100000x32xf32, #tpu.memory_space<hbm>>
    tpu.enqueue_indirect_dma source(%dma_start3A_17 : memref<100000x32xf32, #tpu.memory_space<hbm>>) target(%dma_start3A_12 : memref<128x32xf32, #tpu.memory_space<vmem>>) offsets(%dma_start3A_14 : memref<128xi32, #tpu.memory_space<vmem>>) semaphore(%arg8 : memref<!tpu.dma_semaphore, #tpu.memory_space<semaphore_mem>>)
    %dma_start3A_18 = arith.constant 256 : i32
    %dma_start3A_19 = arith.constant 0 : i32
    %dma_start3A_20 = tpu.memref_slice %arg6[%dma_start3A_18, %dma_start3A_19] : memref<2560x32xf32, #tpu.memory_space<vmem>> -> memref<128x32xf32, #tpu.memory_space<vmem>>
    %dma_start3A_21 = arith.constant 256 : i32
    %dma_start3A_22 = tpu.memref_slice %arg5[%dma_start3A_21] : memref<2560xi32, #tpu.memory_space<vmem>> -> memref<128xi32, #tpu.memory_space<vmem>>
    %dma_start3A_23 = arith.constant 0 : i32
    %dma_start3A_24 = arith.constant 0 : i32
    %dma_start3A_25 = tpu.memref_slice %arg3[%dma_start3A_23, %dma_start3A_24] : memref<100000x32xf32, #tpu.memory_space<hbm>> -> memref<100000x32xf32, #tpu.memory_space<hbm>>
    tpu.enqueue_indirect_dma source(%dma_start3A_25 : memref<100000x32xf32, #tpu.memory_space<hbm>>) target(%dma_start3A_20 : memref<128x32xf32, #tpu.memory_space<vmem>>) offsets(%dma_start3A_22 : memref<128xi32, #tpu.memory_space<vmem>>) semaphore(%arg8 : memref<!tpu.dma_semaphore, #tpu.memory_space<semaphore_mem>>)
    %dma_start3A_26 = arith.constant 384 : i32
    %dma_start3A_27 = arith.constant 0 : i32
    %dma_start3A_28 = tpu.memref_slice %arg6[%dma_start3A_26, %dma_start3A_27] : memref<2560x32xf32, #tpu.memory_space<vmem>> -> memref<128x32xf32, #tpu.memory_space<vmem>>
    %dma_start3A_29 = arith.constant 384 : i32
    %dma_start3A_30 = tpu.memref_slice %arg5[%dma_start3A_29] : memref<2560xi32, #tpu.memory_space<vmem>> -> memref<128xi32, #tpu.memory_space<vmem>>
    %dma_start3A_31 = arith.constant 0 : i32
    %dma_start3A_32 = arith.constant 0 : i32
    %dma_start3A_33 = tpu.memref_slice %arg3[%dma_start3A_31, %dma_start3A_32] : memref<100000x32xf32, #tpu.memory_space<hbm>> -> memref<100000x32xf32, #tpu.memory_space<hbm>>
    tpu.enqueue_indirect_dma source(%dma_start3A_33 : memref<100000x32xf32, #tpu.memory_space<hbm>>) target(%dma_start3A_28 : memref<128x32xf32, #tpu.memory_space<vmem>>) offsets(%dma_start3A_30 : memref<128xi32, #tpu.memory_space<vmem>>) semaphore(%arg8 : memref<!tpu.dma_semaphore, #tpu.memory_space<semaphore_mem>>)
    %dma_start3A_34 = arith.constant 512 : i32
    %dma_start3A_35 = arith.constant 0 : i32
    %dma_start3A_36 = tpu.memref_slice %arg6[%dma_start3A_34, %dma_start3A_35] : memref<2560x32xf32, #tpu.memory_space<vmem>> -> memref<128x32xf32, #tpu.memory_space<vmem>>
    %dma_start3A_37 = arith.constant 512 : i32
    %dma_start3A_38 = tpu.memref_slice %arg5[%dma_start3A_37] : memref<2560xi32, #tpu.memory_space<vmem>> -> memref<128xi32, #tpu.memory_space<vmem>>
    %dma_start3A_39 = arith.constant 0 : i32
    %dma_start3A_40 = arith.constant 0 : i32
    %dma_start3A_41 = tpu.memref_slice %arg3[%dma_start3A_39, %dma_start3A_40] : memref<100000x32xf32, #tpu.memory_space<hbm>> -> memref<100000x32xf32, #tpu.memory_space<hbm>>
    tpu.enqueue_indirect_dma source(%dma_start3A_41 : memref<100000x32xf32, #tpu.memory_space<hbm>>) target(%dma_start3A_36 : memref<128x32xf32, #tpu.memory_space<vmem>>) offsets(%dma_start3A_38 : memref<128xi32, #tpu.memory_space<vmem>>) semaphore(%arg8 : memref<!tpu.dma_semaphore, #tpu.memory_space<semaphore_mem>>)
    %dma_start3A_42 = arith.constant 640 : i32
    %dma_start3A_43 = arith.constant 0 : i32
    %dma_start3A_44 = tpu.memref_slice %arg6[%dma_start3A_42, %dma_start3A_43] : memref<2560x32xf32, #tpu.memory_space<vmem>> -> memref<128x32xf32, #tpu.memory_space<vmem>>
    %dma_start3A_45 = arith.constant 640 : i32
    %dma_start3A_46 = tpu.memref_slice %arg5[%dma_start3A_45] : memref<2560xi32, #tpu.memory_space<vmem>> -> memref<128xi32, #tpu.memory_space<vmem>>
    %dma_start3A_47 = arith.constant 0 : i32
    %dma_start3A_48 = arith.constant 0 : i32
    %dma_start3A_49 = tpu.memref_slice %arg3[%dma_start3A_47, %dma_start3A_48] : memref<100000x32xf32, #tpu.memory_space<hbm>> -> memref<100000x32xf32, #tpu.memory_space<hbm>>
    tpu.enqueue_indirect_dma source(%dma_start3A_49 : memref<100000x32xf32, #tpu.memory_space<hbm>>) target(%dma_start3A_44 : memref<128x32xf32, #tpu.memory_space<vmem>>) offsets(%dma_start3A_46 : memref<128xi32, #tpu.memory_space<vmem>>) semaphore(%arg8 : memref<!tpu.dma_semaphore, #tpu.memory_space<semaphore_mem>>)
    %dma_start3A_50 = arith.constant 768 : i32
    %dma_start3A_51 = arith.constant 0 : i32
    %dma_start3A_52 = tpu.memref_slice %arg6[%dma_start3A_50, %dma_start3A_51] : memref<2560x32xf32, #tpu.memory_space<vmem>> -> memref<128x32xf32, #tpu.memory_space<vmem>>
    %dma_start3A_53 = arith.constant 768 : i32
    %dma_start3A_54 = tpu.memref_slice %arg5[%dma_start3A_53] : memref<2560xi32, #tpu.memory_space<vmem>> -> memref<128xi32, #tpu.memory_space<vmem>>
    %dma_start3A_55 = arith.constant 0 : i32
    %dma_start3A_56 = arith.constant 0 : i32
    %dma_start3A_57 = tpu.memref_slice %arg3[%dma_start3A_55, %dma_start3A_56] : memref<100000x32xf32, #tpu.memory_space<hbm>> -> memref<100000x32xf32, #tpu.memory_space<hbm>>
    tpu.enqueue_indirect_dma source(%dma_start3A_57 : memref<100000x32xf32, #tpu.memory_space<hbm>>) target(%dma_start3A_52 : memref<128x32xf32, #tpu.memory_space<vmem>>) offsets(%dma_start3A_54 : memref<128xi32, #tpu.memory_space<vmem>>) semaphore(%arg8 : memref<!tpu.dma_semaphore, #tpu.memory_space<semaphore_mem>>)
    %dma_start3A_58 = arith.constant 896 : i32
    %dma_start3A_59 = arith.constant 0 : i32
    %dma_start3A_60 = tpu.memref_slice %arg6[%dma_start3A_58, %dma_start3A_59] : memref<2560x32xf32, #tpu.memory_space<vmem>> -> memref<128x32xf32, #tpu.memory_space<vmem>>
    %dma_start3A_61 = arith.constant 896 : i32
    %dma_start3A_62 = tpu.memref_slice %arg5[%dma_start3A_61] : memref<2560xi32, #tpu.memory_space<vmem>> -> memref<128xi32, #tpu.memory_space<vmem>>
    %dma_start3A_63 = arith.constant 0 : i32
    %dma_start3A_64 = arith.constant 0 : i32
    %dma_start3A_65 = tpu.memref_slice %arg3[%dma_start3A_63, %dma_start3A_64] : memref<100000x32xf32, #tpu.memory_space<hbm>> -> memref<100000x32xf32, #tpu.memory_space<hbm>>
    tpu.enqueue_indirect_dma source(%dma_start3A_65 : memref<100000x32xf32, #tpu.memory_space<hbm>>) target(%dma_start3A_60 : memref<128x32xf32, #tpu.memory_space<vmem>>) offsets(%dma_start3A_62 : memref<128xi32, #tpu.memory_space<vmem>>) semaphore(%arg8 : memref<!tpu.dma_semaphore, #tpu.memory_space<semaphore_mem>>)
    %dma_start3A_66 = arith.constant 1024 : i32
    %dma_start3A_67 = arith.constant 0 : i32
    %dma_start3A_68 = tpu.memref_slice %arg6[%dma_start3A_66, %dma_start3A_67] : memref<2560x32xf32, #tpu.memory_space<vmem>> -> memref<128x32xf32, #tpu.memory_space<vmem>>
    %dma_start3A_69 = arith.constant 1024 : i32
    %dma_start3A_70 = tpu.memref_slice %arg5[%dma_start3A_69] : memref<2560xi32, #tpu.memory_space<vmem>> -> memref<128xi32, #tpu.memory_space<vmem>>
    %dma_start3A_71 = arith.constant 0 : i32
    %dma_start3A_72 = arith.constant 0 : i32
    %dma_start3A_73 = tpu.memref_slice %arg3[%dma_start3A_71, %dma_start3A_72] : memref<100000x32xf32, #tpu.memory_space<hbm>> -> memref<100000x32xf32, #tpu.memory_space<hbm>>
    tpu.enqueue_indirect_dma source(%dma_start3A_73 : memref<100000x32xf32, #tpu.memory_space<hbm>>) target(%dma_start3A_68 : memref<128x32xf32, #tpu.memory_space<vmem>>) offsets(%dma_start3A_70 : memref<128xi32, #tpu.memory_space<vmem>>) semaphore(%arg8 : memref<!tpu.dma_semaphore, #tpu.memory_space<semaphore_mem>>)
    %dma_start3A_74 = arith.constant 1152 : i32
    %dma_start3A_75 = arith.constant 0 : i32
    %dma_start3A_76 = tpu.memref_slice %arg6[%dma_start3A_74, %dma_start3A_75] : memref<2560x32xf32, #tpu.memory_space<vmem>> -> memref<128x32xf32, #tpu.memory_space<vmem>>
    %dma_start3A_77 = arith.constant 1152 : i32
    %dma_start3A_78 = tpu.memref_slice %arg5[%dma_start3A_77] : memref<2560xi32, #tpu.memory_space<vmem>> -> memref<128xi32, #tpu.memory_space<vmem>>
    %dma_start3A_79 = arith.constant 0 : i32
    %dma_start3A_80 = arith.constant 0 : i32
    %dma_start3A_81 = tpu.memref_slice %arg3[%dma_start3A_79, %dma_start3A_80] : memref<100000x32xf32, #tpu.memory_space<hbm>> -> memref<100000x32xf32, #tpu.memory_space<hbm>>
    tpu.enqueue_indirect_dma source(%dma_start3A_81 : memref<100000x32xf32, #tpu.memory_space<hbm>>) target(%dma_start3A_76 : memref<128x32xf32, #tpu.memory_space<vmem>>) offsets(%dma_start3A_78 : memref<128xi32, #tpu.memory_space<vmem>>) semaphore(%arg8 : memref<!tpu.dma_semaphore, #tpu.memory_space<semaphore_mem>>)
    %dma_start3A_82 = arith.constant 1280 : i32
    %dma_start3A_83 = arith.constant 0 : i32
    %dma_start3A_84 = tpu.memref_slice %arg6[%dma_start3A_82, %dma_start3A_83] : memref<2560x32xf32, #tpu.memory_space<vmem>> -> memref<128x32xf32, #tpu.memory_space<vmem>>
    %dma_start3A_85 = arith.constant 1280 : i32
    %dma_start3A_86 = tpu.memref_slice %arg5[%dma_start3A_85] : memref<2560xi32, #tpu.memory_space<vmem>> -> memref<128xi32, #tpu.memory_space<vmem>>
    %dma_start3A_87 = arith.constant 0 : i32
    %dma_start3A_88 = arith.constant 0 : i32
    %dma_start3A_89 = tpu.memref_slice %arg3[%dma_start3A_87, %dma_start3A_88] : memref<100000x32xf32, #tpu.memory_space<hbm>> -> memref<100000x32xf32, #tpu.memory_space<hbm>>
    tpu.enqueue_indirect_dma source(%dma_start3A_89 : memref<100000x32xf32, #tpu.memory_space<hbm>>) target(%dma_start3A_84 : memref<128x32xf32, #tpu.memory_space<vmem>>) offsets(%dma_start3A_86 : memref<128xi32, #tpu.memory_space<vmem>>) semaphore(%arg8 : memref<!tpu.dma_semaphore, #tpu.memory_space<semaphore_mem>>)
    %dma_start3A_90 = arith.constant 1408 : i32
    %dma_start3A_91 = arith.constant 0 : i32
    %dma_start3A_92 = tpu.memref_slice %arg6[%dma_start3A_90, %dma_start3A_91] : memref<2560x32xf32, #tpu.memory_space<vmem>> -> memref<128x32xf32, #tpu.memory_space<vmem>>
    %dma_start3A_93 = arith.constant 1408 : i32
    %dma_start3A_94 = tpu.memref_slice %arg5[%dma_start3A_93] : memref<2560xi32, #tpu.memory_space<vmem>> -> memref<128xi32, #tpu.memory_space<vmem>>
    %dma_start3A_95 = arith.constant 0 : i32
    %dma_start3A_96 = arith.constant 0 : i32
    %dma_start3A_97 = tpu.memref_slice %arg3[%dma_start3A_95, %dma_start3A_96] : memref<100000x32xf32, #tpu.memory_space<hbm>> -> memref<100000x32xf32, #tpu.memory_space<hbm>>
    tpu.enqueue_indirect_dma source(%dma_start3A_97 : memref<100000x32xf32, #tpu.memory_space<hbm>>) target(%dma_start3A_92 : memref<128x32xf32, #tpu.memory_space<vmem>>) offsets(%dma_start3A_94 : memref<128xi32, #tpu.memory_space<vmem>>) semaphore(%arg8 : memref<!tpu.dma_semaphore, #tpu.memory_space<semaphore_mem>>)
    %dma_start3A_98 = arith.constant 1536 : i32
    %dma_start3A_99 = arith.constant 0 : i32
    %dma_start3A_100 = tpu.memref_slice %arg6[%dma_start3A_98, %dma_start3A_99] : memref<2560x32xf32, #tpu.memory_space<vmem>> -> memref<128x32xf32, #tpu.memory_space<vmem>>
    %dma_start3A_101 = arith.constant 1536 : i32
    %dma_start3A_102 = tpu.memref_slice %arg5[%dma_start3A_101] : memref<2560xi32, #tpu.memory_space<vmem>> -> memref<128xi32, #tpu.memory_space<vmem>>
    %dma_start3A_103 = arith.constant 0 : i32
    %dma_start3A_104 = arith.constant 0 : i32
    %dma_start3A_105 = tpu.memref_slice %arg3[%dma_start3A_103, %dma_start3A_104] : memref<100000x32xf32, #tpu.memory_space<hbm>> -> memref<100000x32xf32, #tpu.memory_space<hbm>>
    tpu.enqueue_indirect_dma source(%dma_start3A_105 : memref<100000x32xf32, #tpu.memory_space<hbm>>) target(%dma_start3A_100 : memref<128x32xf32, #tpu.memory_space<vmem>>) offsets(%dma_start3A_102 : memref<128xi32, #tpu.memory_space<vmem>>) semaphore(%arg8 : memref<!tpu.dma_semaphore, #tpu.memory_space<semaphore_mem>>)
    %dma_start3A_106 = arith.constant 1664 : i32
    %dma_start3A_107 = arith.constant 0 : i32
    %dma_start3A_108 = tpu.memref_slice %arg6[%dma_start3A_106, %dma_start3A_107] : memref<2560x32xf32, #tpu.memory_space<vmem>> -> memref<128x32xf32, #tpu.memory_space<vmem>>
    %dma_start3A_109 = arith.constant 1664 : i32
    %dma_start3A_110 = tpu.memref_slice %arg5[%dma_start3A_109] : memref<2560xi32, #tpu.memory_space<vmem>> -> memref<128xi32, #tpu.memory_space<vmem>>
    %dma_start3A_111 = arith.constant 0 : i32
    %dma_start3A_112 = arith.constant 0 : i32
    %dma_start3A_113 = tpu.memref_slice %arg3[%dma_start3A_111, %dma_start3A_112] : memref<100000x32xf32, #tpu.memory_space<hbm>> -> memref<100000x32xf32, #tpu.memory_space<hbm>>
    tpu.enqueue_indirect_dma source(%dma_start3A_113 : memref<100000x32xf32, #tpu.memory_space<hbm>>) target(%dma_start3A_108 : memref<128x32xf32, #tpu.memory_space<vmem>>) offsets(%dma_start3A_110 : memref<128xi32, #tpu.memory_space<vmem>>) semaphore(%arg8 : memref<!tpu.dma_semaphore, #tpu.memory_space<semaphore_mem>>)
    %dma_start3A_114 = arith.constant 1792 : i32
    %dma_start3A_115 = arith.constant 0 : i32
    %dma_start3A_116 = tpu.memref_slice %arg6[%dma_start3A_114, %dma_start3A_115] : memref<2560x32xf32, #tpu.memory_space<vmem>> -> memref<128x32xf32, #tpu.memory_space<vmem>>
    %dma_start3A_117 = arith.constant 1792 : i32
    %dma_start3A_118 = tpu.memref_slice %arg5[%dma_start3A_117] : memref<2560xi32, #tpu.memory_space<vmem>> -> memref<128xi32, #tpu.memory_space<vmem>>
    %dma_start3A_119 = arith.constant 0 : i32
    %dma_start3A_120 = arith.constant 0 : i32
    %dma_start3A_121 = tpu.memref_slice %arg3[%dma_start3A_119, %dma_start3A_120] : memref<100000x32xf32, #tpu.memory_space<hbm>> -> memref<100000x32xf32, #tpu.memory_space<hbm>>
    tpu.enqueue_indirect_dma source(%dma_start3A_121 : memref<100000x32xf32, #tpu.memory_space<hbm>>) target(%dma_start3A_116 : memref<128x32xf32, #tpu.memory_space<vmem>>) offsets(%dma_start3A_118 : memref<128xi32, #tpu.memory_space<vmem>>) semaphore(%arg8 : memref<!tpu.dma_semaphore, #tpu.memory_space<semaphore_mem>>)
    %dma_start3A_122 = arith.constant 1920 : i32
    %dma_start3A_123 = arith.constant 0 : i32
    %dma_start3A_124 = tpu.memref_slice %arg6[%dma_start3A_122, %dma_start3A_123] : memref<2560x32xf32, #tpu.memory_space<vmem>> -> memref<128x32xf32, #tpu.memory_space<vmem>>
    %dma_start3A_125 = arith.constant 1920 : i32
    %dma_start3A_126 = tpu.memref_slice %arg5[%dma_start3A_125] : memref<2560xi32, #tpu.memory_space<vmem>> -> memref<128xi32, #tpu.memory_space<vmem>>
    %dma_start3A_127 = arith.constant 0 : i32
    %dma_start3A_128 = arith.constant 0 : i32
    %dma_start3A_129 = tpu.memref_slice %arg3[%dma_start3A_127, %dma_start3A_128] : memref<100000x32xf32, #tpu.memory_space<hbm>> -> memref<100000x32xf32, #tpu.memory_space<hbm>>
    tpu.enqueue_indirect_dma source(%dma_start3A_129 : memref<100000x32xf32, #tpu.memory_space<hbm>>) target(%dma_start3A_124 : memref<128x32xf32, #tpu.memory_space<vmem>>) offsets(%dma_start3A_126 : memref<128xi32, #tpu.memory_space<vmem>>) semaphore(%arg8 : memref<!tpu.dma_semaphore, #tpu.memory_space<semaphore_mem>>)
    %dma_start3A_130 = arith.constant 2048 : i32
    %dma_start3A_131 = arith.constant 0 : i32
    %dma_start3A_132 = tpu.memref_slice %arg6[%dma_start3A_130, %dma_start3A_131] : memref<2560x32xf32, #tpu.memory_space<vmem>> -> memref<128x32xf32, #tpu.memory_space<vmem>>
    %dma_start3A_133 = arith.constant 2048 : i32
    %dma_start3A_134 = tpu.memref_slice %arg5[%dma_start3A_133] : memref<2560xi32, #tpu.memory_space<vmem>> -> memref<128xi32, #tpu.memory_space<vmem>>
    %dma_start3A_135 = arith.constant 0 : i32
    %dma_start3A_136 = arith.constant 0 : i32
    %dma_start3A_137 = tpu.memref_slice %arg3[%dma_start3A_135, %dma_start3A_136] : memref<100000x32xf32, #tpu.memory_space<hbm>> -> memref<100000x32xf32, #tpu.memory_space<hbm>>
    tpu.enqueue_indirect_dma source(%dma_start3A_137 : memref<100000x32xf32, #tpu.memory_space<hbm>>) target(%dma_start3A_132 : memref<128x32xf32, #tpu.memory_space<vmem>>) offsets(%dma_start3A_134 : memref<128xi32, #tpu.memory_space<vmem>>) semaphore(%arg8 : memref<!tpu.dma_semaphore, #tpu.memory_space<semaphore_mem>>)
    %dma_start3A_138 = arith.constant 2176 : i32
    %dma_start3A_139 = arith.constant 0 : i32
    %dma_start3A_140 = tpu.memref_slice %arg6[%dma_start3A_138, %dma_start3A_139] : memref<2560x32xf32, #tpu.memory_space<vmem>> -> memref<128x32xf32, #tpu.memory_space<vmem>>
    %dma_start3A_141 = arith.constant 2176 : i32
    %dma_start3A_142 = tpu.memref_slice %arg5[%dma_start3A_141] : memref<2560xi32, #tpu.memory_space<vmem>> -> memref<128xi32, #tpu.memory_space<vmem>>
    %dma_start3A_143 = arith.constant 0 : i32
    %dma_start3A_144 = arith.constant 0 : i32
    %dma_start3A_145 = tpu.memref_slice %arg3[%dma_start3A_143, %dma_start3A_144] : memref<100000x32xf32, #tpu.memory_space<hbm>> -> memref<100000x32xf32, #tpu.memory_space<hbm>>
    tpu.enqueue_indirect_dma source(%dma_start3A_145 : memref<100000x32xf32, #tpu.memory_space<hbm>>) target(%dma_start3A_140 : memref<128x32xf32, #tpu.memory_space<vmem>>) offsets(%dma_start3A_142 : memref<128xi32, #tpu.memory_space<vmem>>) semaphore(%arg8 : memref<!tpu.dma_semaphore, #tpu.memory_space<semaphore_mem>>)
    %dma_start3A_146 = arith.constant 2304 : i32
    %dma_start3A_147 = arith.constant 0 : i32
    %dma_start3A_148 = tpu.memref_slice %arg6[%dma_start3A_146, %dma_start3A_147] : memref<2560x32xf32, #tpu.memory_space<vmem>> -> memref<128x32xf32, #tpu.memory_space<vmem>>
    %dma_start3A_149 = arith.constant 2304 : i32
    %dma_start3A_150 = tpu.memref_slice %arg5[%dma_start3A_149] : memref<2560xi32, #tpu.memory_space<vmem>> -> memref<128xi32, #tpu.memory_space<vmem>>
    %dma_start3A_151 = arith.constant 0 : i32
    %dma_start3A_152 = arith.constant 0 : i32
    %dma_start3A_153 = tpu.memref_slice %arg3[%dma_start3A_151, %dma_start3A_152] : memref<100000x32xf32, #tpu.memory_space<hbm>> -> memref<100000x32xf32, #tpu.memory_space<hbm>>
    tpu.enqueue_indirect_dma source(%dma_start3A_153 : memref<100000x32xf32, #tpu.memory_space<hbm>>) target(%dma_start3A_148 : memref<128x32xf32, #tpu.memory_space<vmem>>) offsets(%dma_start3A_150 : memref<128xi32, #tpu.memory_space<vmem>>) semaphore(%arg8 : memref<!tpu.dma_semaphore, #tpu.memory_space<semaphore_mem>>)
    %dma_start3A_154 = arith.constant 2432 : i32
    %dma_start3A_155 = arith.constant 0 : i32
    %dma_start3A_156 = tpu.memref_slice %arg6[%dma_start3A_154, %dma_start3A_155] : memref<2560x32xf32, #tpu.memory_space<vmem>> -> memref<128x32xf32, #tpu.memory_space<vmem>>
    %dma_start3A_157 = arith.constant 2432 : i32
    %dma_start3A_158 = tpu.memref_slice %arg5[%dma_start3A_157] : memref<2560xi32, #tpu.memory_space<vmem>> -> memref<128xi32, #tpu.memory_space<vmem>>
    %dma_start3A_159 = arith.constant 0 : i32
    %dma_start3A_160 = arith.constant 0 : i32
    %dma_start3A_161 = tpu.memref_slice %arg3[%dma_start3A_159, %dma_start3A_160] : memref<100000x32xf32, #tpu.memory_space<hbm>> -> memref<100000x32xf32, #tpu.memory_space<hbm>>
    tpu.enqueue_indirect_dma source(%dma_start3A_161 : memref<100000x32xf32, #tpu.memory_space<hbm>>) target(%dma_start3A_156 : memref<128x32xf32, #tpu.memory_space<vmem>>) offsets(%dma_start3A_158 : memref<128xi32, #tpu.memory_space<vmem>>) semaphore(%arg8 : memref<!tpu.dma_semaphore, #tpu.memory_space<semaphore_mem>>)
    %dma_wait3A = arith.constant 0 : i32
    %dma_wait3A_162 = arith.constant 0 : i32
    %dma_wait3A_163 = tpu.memref_slice %arg6[%dma_wait3A, %dma_wait3A_162] : memref<2560x32xf32, #tpu.memory_space<vmem>> -> memref<128x32xf32, #tpu.memory_space<vmem>>
    %dma_wait3A_164 = arith.constant 0 : i32
    %dma_wait3A_165 = tpu.memref_slice %arg5[%dma_wait3A_164] : memref<2560xi32, #tpu.memory_space<vmem>> -> memref<128xi32, #tpu.memory_space<vmem>>
    %dma_wait3A_166 = arith.constant 0 : i32
    %dma_wait3A_167 = arith.constant 0 : i32
    %dma_wait3A_168 = tpu.memref_slice %arg3[%dma_wait3A_166, %dma_wait3A_167] : memref<100000x32xf32, #tpu.memory_space<hbm>> -> memref<100000x32xf32, #tpu.memory_space<hbm>>
    tpu.wait_indirect_dma semaphore(%arg8 : memref<!tpu.dma_semaphore, #tpu.memory_space<semaphore_mem>>) src(%dma_wait3A_168 : memref<100000x32xf32, #tpu.memory_space<hbm>>) dst(%dma_wait3A_163 : memref<128x32xf32, #tpu.memory_space<vmem>>)
    %dma_wait3A_169 = arith.constant 128 : i32
    %dma_wait3A_170 = arith.constant 0 : i32
    %dma_wait3A_171 = tpu.memref_slice %arg6[%dma_wait3A_169, %dma_wait3A_170] : memref<2560x32xf32, #tpu.memory_space<vmem>> -> memref<128x32xf32, #tpu.memory_space<vmem>>
    %dma_wait3A_172 = arith.constant 128 : i32
    %dma_wait3A_173 = tpu.memref_slice %arg5[%dma_wait3A_172] : memref<2560xi32, #tpu.memory_space<vmem>> -> memref<128xi32, #tpu.memory_space<vmem>>
    %dma_wait3A_174 = arith.constant 0 : i32
    %dma_wait3A_175 = arith.constant 0 : i32
    %dma_wait3A_176 = tpu.memref_slice %arg3[%dma_wait3A_174, %dma_wait3A_175] : memref<100000x32xf32, #tpu.memory_space<hbm>> -> memref<100000x32xf32, #tpu.memory_space<hbm>>
    tpu.wait_indirect_dma semaphore(%arg8 : memref<!tpu.dma_semaphore, #tpu.memory_space<semaphore_mem>>) src(%dma_wait3A_176 : memref<100000x32xf32, #tpu.memory_space<hbm>>) dst(%dma_wait3A_171 : memref<128x32xf32, #tpu.memory_space<vmem>>)
    %dma_wait3A_177 = arith.constant 256 : i32
    %dma_wait3A_178 = arith.constant 0 : i32
    %dma_wait3A_179 = tpu.memref_slice %arg6[%dma_wait3A_177, %dma_wait3A_178] : memref<2560x32xf32, #tpu.memory_space<vmem>> -> memref<128x32xf32, #tpu.memory_space<vmem>>
    %dma_wait3A_180 = arith.constant 256 : i32
    %dma_wait3A_181 = tpu.memref_slice %arg5[%dma_wait3A_180] : memref<2560xi32, #tpu.memory_space<vmem>> -> memref<128xi32, #tpu.memory_space<vmem>>
    %dma_wait3A_182 = arith.constant 0 : i32
    %dma_wait3A_183 = arith.constant 0 : i32
    %dma_wait3A_184 = tpu.memref_slice %arg3[%dma_wait3A_182, %dma_wait3A_183] : memref<100000x32xf32, #tpu.memory_space<hbm>> -> memref<100000x32xf32, #tpu.memory_space<hbm>>
    tpu.wait_indirect_dma semaphore(%arg8 : memref<!tpu.dma_semaphore, #tpu.memory_space<semaphore_mem>>) src(%dma_wait3A_184 : memref<100000x32xf32, #tpu.memory_space<hbm>>) dst(%dma_wait3A_179 : memref<128x32xf32, #tpu.memory_space<vmem>>)
    %dma_wait3A_185 = arith.constant 384 : i32
    %dma_wait3A_186 = arith.constant 0 : i32
    %dma_wait3A_187 = tpu.memref_slice %arg6[%dma_wait3A_185, %dma_wait3A_186] : memref<2560x32xf32, #tpu.memory_space<vmem>> -> memref<128x32xf32, #tpu.memory_space<vmem>>
    %dma_wait3A_188 = arith.constant 384 : i32
    %dma_wait3A_189 = tpu.memref_slice %arg5[%dma_wait3A_188] : memref<2560xi32, #tpu.memory_space<vmem>> -> memref<128xi32, #tpu.memory_space<vmem>>
    %dma_wait3A_190 = arith.constant 0 : i32
    %dma_wait3A_191 = arith.constant 0 : i32
    %dma_wait3A_192 = tpu.memref_slice %arg3[%dma_wait3A_190, %dma_wait3A_191] : memref<100000x32xf32, #tpu.memory_space<hbm>> -> memref<100000x32xf32, #tpu.memory_space<hbm>>
    tpu.wait_indirect_dma semaphore(%arg8 : memref<!tpu.dma_semaphore, #tpu.memory_space<semaphore_mem>>) src(%dma_wait3A_192 : memref<100000x32xf32, #tpu.memory_space<hbm>>) dst(%dma_wait3A_187 : memref<128x32xf32, #tpu.memory_space<vmem>>)
    %dma_wait3A_193 = arith.constant 512 : i32
    %dma_wait3A_194 = arith.constant 0 : i32
    %dma_wait3A_195 = tpu.memref_slice %arg6[%dma_wait3A_193, %dma_wait3A_194] : memref<2560x32xf32, #tpu.memory_space<vmem>> -> memref<128x32xf32, #tpu.memory_space<vmem>>
    %dma_wait3A_196 = arith.constant 512 : i32
    %dma_wait3A_197 = tpu.memref_slice %arg5[%dma_wait3A_196] : memref<2560xi32, #tpu.memory_space<vmem>> -> memref<128xi32, #tpu.memory_space<vmem>>
    %dma_wait3A_198 = arith.constant 0 : i32
    %dma_wait3A_199 = arith.constant 0 : i32
    %dma_wait3A_200 = tpu.memref_slice %arg3[%dma_wait3A_198, %dma_wait3A_199] : memref<100000x32xf32, #tpu.memory_space<hbm>> -> memref<100000x32xf32, #tpu.memory_space<hbm>>
    tpu.wait_indirect_dma semaphore(%arg8 : memref<!tpu.dma_semaphore, #tpu.memory_space<semaphore_mem>>) src(%dma_wait3A_200 : memref<100000x32xf32, #tpu.memory_space<hbm>>) dst(%dma_wait3A_195 : memref<128x32xf32, #tpu.memory_space<vmem>>)
    %dma_wait3A_201 = arith.constant 640 : i32
    %dma_wait3A_202 = arith.constant 0 : i32
    %dma_wait3A_203 = tpu.memref_slice %arg6[%dma_wait3A_201, %dma_wait3A_202] : memref<2560x32xf32, #tpu.memory_space<vmem>> -> memref<128x32xf32, #tpu.memory_space<vmem>>
    %dma_wait3A_204 = arith.constant 640 : i32
    %dma_wait3A_205 = tpu.memref_slice %arg5[%dma_wait3A_204] : memref<2560xi32, #tpu.memory_space<vmem>> -> memref<128xi32, #tpu.memory_space<vmem>>
    %dma_wait3A_206 = arith.constant 0 : i32
    %dma_wait3A_207 = arith.constant 0 : i32
    %dma_wait3A_208 = tpu.memref_slice %arg3[%dma_wait3A_206, %dma_wait3A_207] : memref<100000x32xf32, #tpu.memory_space<hbm>> -> memref<100000x32xf32, #tpu.memory_space<hbm>>
    tpu.wait_indirect_dma semaphore(%arg8 : memref<!tpu.dma_semaphore, #tpu.memory_space<semaphore_mem>>) src(%dma_wait3A_208 : memref<100000x32xf32, #tpu.memory_space<hbm>>) dst(%dma_wait3A_203 : memref<128x32xf32, #tpu.memory_space<vmem>>)
    %dma_wait3A_209 = arith.constant 768 : i32
    %dma_wait3A_210 = arith.constant 0 : i32
    %dma_wait3A_211 = tpu.memref_slice %arg6[%dma_wait3A_209, %dma_wait3A_210] : memref<2560x32xf32, #tpu.memory_space<vmem>> -> memref<128x32xf32, #tpu.memory_space<vmem>>
    %dma_wait3A_212 = arith.constant 768 : i32
    %dma_wait3A_213 = tpu.memref_slice %arg5[%dma_wait3A_212] : memref<2560xi32, #tpu.memory_space<vmem>> -> memref<128xi32, #tpu.memory_space<vmem>>
    %dma_wait3A_214 = arith.constant 0 : i32
    %dma_wait3A_215 = arith.constant 0 : i32
    %dma_wait3A_216 = tpu.memref_slice %arg3[%dma_wait3A_214, %dma_wait3A_215] : memref<100000x32xf32, #tpu.memory_space<hbm>> -> memref<100000x32xf32, #tpu.memory_space<hbm>>
    tpu.wait_indirect_dma semaphore(%arg8 : memref<!tpu.dma_semaphore, #tpu.memory_space<semaphore_mem>>) src(%dma_wait3A_216 : memref<100000x32xf32, #tpu.memory_space<hbm>>) dst(%dma_wait3A_211 : memref<128x32xf32, #tpu.memory_space<vmem>>)
    %dma_wait3A_217 = arith.constant 896 : i32
    %dma_wait3A_218 = arith.constant 0 : i32
    %dma_wait3A_219 = tpu.memref_slice %arg6[%dma_wait3A_217, %dma_wait3A_218] : memref<2560x32xf32, #tpu.memory_space<vmem>> -> memref<128x32xf32, #tpu.memory_space<vmem>>
    %dma_wait3A_220 = arith.constant 896 : i32
    %dma_wait3A_221 = tpu.memref_slice %arg5[%dma_wait3A_220] : memref<2560xi32, #tpu.memory_space<vmem>> -> memref<128xi32, #tpu.memory_space<vmem>>
    %dma_wait3A_222 = arith.constant 0 : i32
    %dma_wait3A_223 = arith.constant 0 : i32
    %dma_wait3A_224 = tpu.memref_slice %arg3[%dma_wait3A_222, %dma_wait3A_223] : memref<100000x32xf32, #tpu.memory_space<hbm>> -> memref<100000x32xf32, #tpu.memory_space<hbm>>
    tpu.wait_indirect_dma semaphore(%arg8 : memref<!tpu.dma_semaphore, #tpu.memory_space<semaphore_mem>>) src(%dma_wait3A_224 : memref<100000x32xf32, #tpu.memory_space<hbm>>) dst(%dma_wait3A_219 : memref<128x32xf32, #tpu.memory_space<vmem>>)
    %dma_wait3A_225 = arith.constant 1024 : i32
    %dma_wait3A_226 = arith.constant 0 : i32
    %dma_wait3A_227 = tpu.memref_slice %arg6[%dma_wait3A_225, %dma_wait3A_226] : memref<2560x32xf32, #tpu.memory_space<vmem>> -> memref<128x32xf32, #tpu.memory_space<vmem>>
    %dma_wait3A_228 = arith.constant 1024 : i32
    %dma_wait3A_229 = tpu.memref_slice %arg5[%dma_wait3A_228] : memref<2560xi32, #tpu.memory_space<vmem>> -> memref<128xi32, #tpu.memory_space<vmem>>
    %dma_wait3A_230 = arith.constant 0 : i32
    %dma_wait3A_231 = arith.constant 0 : i32
    %dma_wait3A_232 = tpu.memref_slice %arg3[%dma_wait3A_230, %dma_wait3A_231] : memref<100000x32xf32, #tpu.memory_space<hbm>> -> memref<100000x32xf32, #tpu.memory_space<hbm>>
    tpu.wait_indirect_dma semaphore(%arg8 : memref<!tpu.dma_semaphore, #tpu.memory_space<semaphore_mem>>) src(%dma_wait3A_232 : memref<100000x32xf32, #tpu.memory_space<hbm>>) dst(%dma_wait3A_227 : memref<128x32xf32, #tpu.memory_space<vmem>>)
    %dma_wait3A_233 = arith.constant 1152 : i32
    %dma_wait3A_234 = arith.constant 0 : i32
    %dma_wait3A_235 = tpu.memref_slice %arg6[%dma_wait3A_233, %dma_wait3A_234] : memref<2560x32xf32, #tpu.memory_space<vmem>> -> memref<128x32xf32, #tpu.memory_space<vmem>>
    %dma_wait3A_236 = arith.constant 1152 : i32
    %dma_wait3A_237 = tpu.memref_slice %arg5[%dma_wait3A_236] : memref<2560xi32, #tpu.memory_space<vmem>> -> memref<128xi32, #tpu.memory_space<vmem>>
    %dma_wait3A_238 = arith.constant 0 : i32
    %dma_wait3A_239 = arith.constant 0 : i32
    %dma_wait3A_240 = tpu.memref_slice %arg3[%dma_wait3A_238, %dma_wait3A_239] : memref<100000x32xf32, #tpu.memory_space<hbm>> -> memref<100000x32xf32, #tpu.memory_space<hbm>>
    tpu.wait_indirect_dma semaphore(%arg8 : memref<!tpu.dma_semaphore, #tpu.memory_space<semaphore_mem>>) src(%dma_wait3A_240 : memref<100000x32xf32, #tpu.memory_space<hbm>>) dst(%dma_wait3A_235 : memref<128x32xf32, #tpu.memory_space<vmem>>)
    %dma_wait3A_241 = arith.constant 1280 : i32
    %dma_wait3A_242 = arith.constant 0 : i32
    %dma_wait3A_243 = tpu.memref_slice %arg6[%dma_wait3A_241, %dma_wait3A_242] : memref<2560x32xf32, #tpu.memory_space<vmem>> -> memref<128x32xf32, #tpu.memory_space<vmem>>
    %dma_wait3A_244 = arith.constant 1280 : i32
    %dma_wait3A_245 = tpu.memref_slice %arg5[%dma_wait3A_244] : memref<2560xi32, #tpu.memory_space<vmem>> -> memref<128xi32, #tpu.memory_space<vmem>>
    %dma_wait3A_246 = arith.constant 0 : i32
    %dma_wait3A_247 = arith.constant 0 : i32
    %dma_wait3A_248 = tpu.memref_slice %arg3[%dma_wait3A_246, %dma_wait3A_247] : memref<100000x32xf32, #tpu.memory_space<hbm>> -> memref<100000x32xf32, #tpu.memory_space<hbm>>
    tpu.wait_indirect_dma semaphore(%arg8 : memref<!tpu.dma_semaphore, #tpu.memory_space<semaphore_mem>>) src(%dma_wait3A_248 : memref<100000x32xf32, #tpu.memory_space<hbm>>) dst(%dma_wait3A_243 : memref<128x32xf32, #tpu.memory_space<vmem>>)
    %dma_wait3A_249 = arith.constant 1408 : i32
    %dma_wait3A_250 = arith.constant 0 : i32
    %dma_wait3A_251 = tpu.memref_slice %arg6[%dma_wait3A_249, %dma_wait3A_250] : memref<2560x32xf32, #tpu.memory_space<vmem>> -> memref<128x32xf32, #tpu.memory_space<vmem>>
    %dma_wait3A_252 = arith.constant 1408 : i32
    %dma_wait3A_253 = tpu.memref_slice %arg5[%dma_wait3A_252] : memref<2560xi32, #tpu.memory_space<vmem>> -> memref<128xi32, #tpu.memory_space<vmem>>
    %dma_wait3A_254 = arith.constant 0 : i32
    %dma_wait3A_255 = arith.constant 0 : i32
    %dma_wait3A_256 = tpu.memref_slice %arg3[%dma_wait3A_254, %dma_wait3A_255] : memref<100000x32xf32, #tpu.memory_space<hbm>> -> memref<100000x32xf32, #tpu.memory_space<hbm>>
    tpu.wait_indirect_dma semaphore(%arg8 : memref<!tpu.dma_semaphore, #tpu.memory_space<semaphore_mem>>) src(%dma_wait3A_256 : memref<100000x32xf32, #tpu.memory_space<hbm>>) dst(%dma_wait3A_251 : memref<128x32xf32, #tpu.memory_space<vmem>>)
    %dma_wait3A_257 = arith.constant 1536 : i32
    %dma_wait3A_258 = arith.constant 0 : i32
    %dma_wait3A_259 = tpu.memref_slice %arg6[%dma_wait3A_257, %dma_wait3A_258] : memref<2560x32xf32, #tpu.memory_space<vmem>> -> memref<128x32xf32, #tpu.memory_space<vmem>>
    %dma_wait3A_260 = arith.constant 1536 : i32
    %dma_wait3A_261 = tpu.memref_slice %arg5[%dma_wait3A_260] : memref<2560xi32, #tpu.memory_space<vmem>> -> memref<128xi32, #tpu.memory_space<vmem>>
    %dma_wait3A_262 = arith.constant 0 : i32
    %dma_wait3A_263 = arith.constant 0 : i32
    %dma_wait3A_264 = tpu.memref_slice %arg3[%dma_wait3A_262, %dma_wait3A_263] : memref<100000x32xf32, #tpu.memory_space<hbm>> -> memref<100000x32xf32, #tpu.memory_space<hbm>>
    tpu.wait_indirect_dma semaphore(%arg8 : memref<!tpu.dma_semaphore, #tpu.memory_space<semaphore_mem>>) src(%dma_wait3A_264 : memref<100000x32xf32, #tpu.memory_space<hbm>>) dst(%dma_wait3A_259 : memref<128x32xf32, #tpu.memory_space<vmem>>)
    %dma_wait3A_265 = arith.constant 1664 : i32
    %dma_wait3A_266 = arith.constant 0 : i32
    %dma_wait3A_267 = tpu.memref_slice %arg6[%dma_wait3A_265, %dma_wait3A_266] : memref<2560x32xf32, #tpu.memory_space<vmem>> -> memref<128x32xf32, #tpu.memory_space<vmem>>
    %dma_wait3A_268 = arith.constant 1664 : i32
    %dma_wait3A_269 = tpu.memref_slice %arg5[%dma_wait3A_268] : memref<2560xi32, #tpu.memory_space<vmem>> -> memref<128xi32, #tpu.memory_space<vmem>>
    %dma_wait3A_270 = arith.constant 0 : i32
    %dma_wait3A_271 = arith.constant 0 : i32
    %dma_wait3A_272 = tpu.memref_slice %arg3[%dma_wait3A_270, %dma_wait3A_271] : memref<100000x32xf32, #tpu.memory_space<hbm>> -> memref<100000x32xf32, #tpu.memory_space<hbm>>
    tpu.wait_indirect_dma semaphore(%arg8 : memref<!tpu.dma_semaphore, #tpu.memory_space<semaphore_mem>>) src(%dma_wait3A_272 : memref<100000x32xf32, #tpu.memory_space<hbm>>) dst(%dma_wait3A_267 : memref<128x32xf32, #tpu.memory_space<vmem>>)
    %dma_wait3A_273 = arith.constant 1792 : i32
    %dma_wait3A_274 = arith.constant 0 : i32
    %dma_wait3A_275 = tpu.memref_slice %arg6[%dma_wait3A_273, %dma_wait3A_274] : memref<2560x32xf32, #tpu.memory_space<vmem>> -> memref<128x32xf32, #tpu.memory_space<vmem>>
    %dma_wait3A_276 = arith.constant 1792 : i32
    %dma_wait3A_277 = tpu.memref_slice %arg5[%dma_wait3A_276] : memref<2560xi32, #tpu.memory_space<vmem>> -> memref<128xi32, #tpu.memory_space<vmem>>
    %dma_wait3A_278 = arith.constant 0 : i32
    %dma_wait3A_279 = arith.constant 0 : i32
    %dma_wait3A_280 = tpu.memref_slice %arg3[%dma_wait3A_278, %dma_wait3A_279] : memref<100000x32xf32, #tpu.memory_space<hbm>> -> memref<100000x32xf32, #tpu.memory_space<hbm>>
    tpu.wait_indirect_dma semaphore(%arg8 : memref<!tpu.dma_semaphore, #tpu.memory_space<semaphore_mem>>) src(%dma_wait3A_280 : memref<100000x32xf32, #tpu.memory_space<hbm>>) dst(%dma_wait3A_275 : memref<128x32xf32, #tpu.memory_space<vmem>>)
    %dma_wait3A_281 = arith.constant 1920 : i32
    %dma_wait3A_282 = arith.constant 0 : i32
    %dma_wait3A_283 = tpu.memref_slice %arg6[%dma_wait3A_281, %dma_wait3A_282] : memref<2560x32xf32, #tpu.memory_space<vmem>> -> memref<128x32xf32, #tpu.memory_space<vmem>>
    %dma_wait3A_284 = arith.constant 1920 : i32
    %dma_wait3A_285 = tpu.memref_slice %arg5[%dma_wait3A_284] : memref<2560xi32, #tpu.memory_space<vmem>> -> memref<128xi32, #tpu.memory_space<vmem>>
    %dma_wait3A_286 = arith.constant 0 : i32
    %dma_wait3A_287 = arith.constant 0 : i32
    %dma_wait3A_288 = tpu.memref_slice %arg3[%dma_wait3A_286, %dma_wait3A_287] : memref<100000x32xf32, #tpu.memory_space<hbm>> -> memref<100000x32xf32, #tpu.memory_space<hbm>>
    tpu.wait_indirect_dma semaphore(%arg8 : memref<!tpu.dma_semaphore, #tpu.memory_space<semaphore_mem>>) src(%dma_wait3A_288 : memref<100000x32xf32, #tpu.memory_space<hbm>>) dst(%dma_wait3A_283 : memref<128x32xf32, #tpu.memory_space<vmem>>)
    %dma_wait3A_289 = arith.constant 2048 : i32
    %dma_wait3A_290 = arith.constant 0 : i32
    %dma_wait3A_291 = tpu.memref_slice %arg6[%dma_wait3A_289, %dma_wait3A_290] : memref<2560x32xf32, #tpu.memory_space<vmem>> -> memref<128x32xf32, #tpu.memory_space<vmem>>
    %dma_wait3A_292 = arith.constant 2048 : i32
    %dma_wait3A_293 = tpu.memref_slice %arg5[%dma_wait3A_292] : memref<2560xi32, #tpu.memory_space<vmem>> -> memref<128xi32, #tpu.memory_space<vmem>>
    %dma_wait3A_294 = arith.constant 0 : i32
    %dma_wait3A_295 = arith.constant 0 : i32
    %dma_wait3A_296 = tpu.memref_slice %arg3[%dma_wait3A_294, %dma_wait3A_295] : memref<100000x32xf32, #tpu.memory_space<hbm>> -> memref<100000x32xf32, #tpu.memory_space<hbm>>
    tpu.wait_indirect_dma semaphore(%arg8 : memref<!tpu.dma_semaphore, #tpu.memory_space<semaphore_mem>>) src(%dma_wait3A_296 : memref<100000x32xf32, #tpu.memory_space<hbm>>) dst(%dma_wait3A_291 : memref<128x32xf32, #tpu.memory_space<vmem>>)
    %dma_wait3A_297 = arith.constant 2176 : i32
    %dma_wait3A_298 = arith.constant 0 : i32
    %dma_wait3A_299 = tpu.memref_slice %arg6[%dma_wait3A_297, %dma_wait3A_298] : memref<2560x32xf32, #tpu.memory_space<vmem>> -> memref<128x32xf32, #tpu.memory_space<vmem>>
    %dma_wait3A_300 = arith.constant 2176 : i32
    %dma_wait3A_301 = tpu.memref_slice %arg5[%dma_wait3A_300] : memref<2560xi32, #tpu.memory_space<vmem>> -> memref<128xi32, #tpu.memory_space<vmem>>
    %dma_wait3A_302 = arith.constant 0 : i32
    %dma_wait3A_303 = arith.constant 0 : i32
    %dma_wait3A_304 = tpu.memref_slice %arg3[%dma_wait3A_302, %dma_wait3A_303] : memref<100000x32xf32, #tpu.memory_space<hbm>> -> memref<100000x32xf32, #tpu.memory_space<hbm>>
    tpu.wait_indirect_dma semaphore(%arg8 : memref<!tpu.dma_semaphore, #tpu.memory_space<semaphore_mem>>) src(%dma_wait3A_304 : memref<100000x32xf32, #tpu.memory_space<hbm>>) dst(%dma_wait3A_299 : memref<128x32xf32, #tpu.memory_space<vmem>>)
    %dma_wait3A_305 = arith.constant 2304 : i32
    %dma_wait3A_306 = arith.constant 0 : i32
    %dma_wait3A_307 = tpu.memref_slice %arg6[%dma_wait3A_305, %dma_wait3A_306] : memref<2560x32xf32, #tpu.memory_space<vmem>> -> memref<128x32xf32, #tpu.memory_space<vmem>>
    %dma_wait3A_308 = arith.constant 2304 : i32
    %dma_wait3A_309 = tpu.memref_slice %arg5[%dma_wait3A_308] : memref<2560xi32, #tpu.memory_space<vmem>> -> memref<128xi32, #tpu.memory_space<vmem>>
    %dma_wait3A_310 = arith.constant 0 : i32
    %dma_wait3A_311 = arith.constant 0 : i32
    %dma_wait3A_312 = tpu.memref_slice %arg3[%dma_wait3A_310, %dma_wait3A_311] : memref<100000x32xf32, #tpu.memory_space<hbm>> -> memref<100000x32xf32, #tpu.memory_space<hbm>>
    tpu.wait_indirect_dma semaphore(%arg8 : memref<!tpu.dma_semaphore, #tpu.memory_space<semaphore_mem>>) src(%dma_wait3A_312 : memref<100000x32xf32, #tpu.memory_space<hbm>>) dst(%dma_wait3A_307 : memref<128x32xf32, #tpu.memory_space<vmem>>)
    %dma_wait3A_313 = arith.constant 2432 : i32
    %dma_wait3A_314 = arith.constant 0 : i32
    %dma_wait3A_315 = tpu.memref_slice %arg6[%dma_wait3A_313, %dma_wait3A_314] : memref<2560x32xf32, #tpu.memory_space<vmem>> -> memref<128x32xf32, #tpu.memory_space<vmem>>
    %dma_wait3A_316 = arith.constant 2432 : i32
    %dma_wait3A_317 = tpu.memref_slice %arg5[%dma_wait3A_316] : memref<2560xi32, #tpu.memory_space<vmem>> -> memref<128xi32, #tpu.memory_space<vmem>>
    %dma_wait3A_318 = arith.constant 0 : i32
    %dma_wait3A_319 = arith.constant 0 : i32
    %dma_wait3A_320 = tpu.memref_slice %arg3[%dma_wait3A_318, %dma_wait3A_319] : memref<100000x32xf32, #tpu.memory_space<hbm>> -> memref<100000x32xf32, #tpu.memory_space<hbm>>
    tpu.wait_indirect_dma semaphore(%arg8 : memref<!tpu.dma_semaphore, #tpu.memory_space<semaphore_mem>>) src(%dma_wait3A_320 : memref<100000x32xf32, #tpu.memory_space<hbm>>) dst(%dma_wait3A_315 : memref<128x32xf32, #tpu.memory_space<vmem>>)
    %scan3A = arith.constant 0 : i32
    %scan3A_321 = arith.constant 0 : i32
    %scan3A_322 = arith.constant 128 : i32
    %scan3A_323 = arith.addi %scan3A_321, %scan3A_322 : i32
    %scan3A_324 = arith.constant 1 : i32
    scf.for %scan3A_328 = %scan3A_321 to %scan3A_323 step %scan3A_324  : i32 {
      %broadcast_in_dim3A = arith.constant 0.000000e+00 : f32
      %broadcast_in_dim3A_329 = vector.broadcast %broadcast_in_dim3A : f32 to vector<16xf32>
      %broadcast_in_dim3A_330 = arith.constant 0.000000e+00 : f32
      %broadcast_in_dim3A_331 = vector.broadcast %broadcast_in_dim3A_330 : f32 to vector<16xf32>
      %mul3A_332 = arith.constant 20 : i32
      %mul3A_333 = arith.muli %scan3A_328, %mul3A_332 : i32
      %add3A_334 = arith.constant 0 : i32
      %add3A_335 = arith.addi %mul3A_333, %add3A_334 : i32
      %get3A = arith.index_cast %add3A_335 : i32 to index
      %get3A_336 = arith.constant 0 : index
      %get3A_337 = tpu.vector_load %arg6[%get3A, %get3A_336] {strides = array<i32>} : memref<2560x32xf32, #tpu.memory_space<vmem>>, vector<1x16xf32>,
      %get3A_338 = vector.shape_cast %get3A_337 : vector<1x16xf32> to vector<16xf32>
      %add3A_339 = arith.addf %broadcast_in_dim3A_329, %get3A_338 : vector<16xf32>
      %mul3A_340 = arith.constant 20 : i32
      %mul3A_341 = arith.muli %scan3A_328, %mul3A_340 : i32
      %add3A_342 = arith.constant 0 : i32
      %add3A_343 = arith.addi %mul3A_341, %add3A_342 : i32
      %get3A_344 = arith.index_cast %add3A_343 : i32 to index
      %get3A_345 = arith.constant 16 : index
      %get3A_346 = tpu.vector_load %arg6[%get3A_344, %get3A_345] {strides = array<i32>} : memref<2560x32xf32, #tpu.memory_space<vmem>>, vector<1x16xf32>,
      %get3A_347 = vector.shape_cast %get3A_346 : vector<1x16xf32> to vector<16xf32>
      %add3A_348 = arith.addf %broadcast_in_dim3A_331, %get3A_347 : vector<16xf32>
      %mul3A_349 = arith.constant 20 : i32
      %mul3A_350 = arith.muli %scan3A_328, %mul3A_349 : i32
      %add3A_351 = arith.constant 1 : i32
      %add3A_352 = arith.addi %mul3A_350, %add3A_351 : i32
      %get3A_353 = arith.index_cast %add3A_352 : i32 to index
      %get3A_354 = arith.constant 0 : index
      %get3A_355 = tpu.vector_load %arg6[%get3A_353, %get3A_354] {strides = array<i32>} : memref<2560x32xf32, #tpu.memory_space<vmem>>, vector<1x16xf32>,
      %get3A_356 = vector.shape_cast %get3A_355 : vector<1x16xf32> to vector<16xf32>
      %add3A_357 = arith.addf %add3A_339, %get3A_356 : vector<16xf32>
      %mul3A_358 = arith.constant 20 : i32
      %mul3A_359 = arith.muli %scan3A_328, %mul3A_358 : i32
      %add3A_360 = arith.constant 1 : i32
      %add3A_361 = arith.addi %mul3A_359, %add3A_360 : i32
      %get3A_362 = arith.index_cast %add3A_361 : i32 to index
      %get3A_363 = arith.constant 16 : index
      %get3A_364 = tpu.vector_load %arg6[%get3A_362, %get3A_363] {strides = array<i32>} : memref<2560x32xf32, #tpu.memory_space<vmem>>, vector<1x16xf32>,
      %get3A_365 = vector.shape_cast %get3A_364 : vector<1x16xf32> to vector<16xf32>
      %add3A_366 = arith.addf %add3A_348, %get3A_365 : vector<16xf32>
      %mul3A_367 = arith.constant 20 : i32
      %mul3A_368 = arith.muli %scan3A_328, %mul3A_367 : i32
      %add3A_369 = arith.constant 2 : i32
      %add3A_370 = arith.addi %mul3A_368, %add3A_369 : i32
      %get3A_371 = arith.index_cast %add3A_370 : i32 to index
      %get3A_372 = arith.constant 0 : index
      %get3A_373 = tpu.vector_load %arg6[%get3A_371, %get3A_372] {strides = array<i32>} : memref<2560x32xf32, #tpu.memory_space<vmem>>, vector<1x16xf32>,
      %get3A_374 = vector.shape_cast %get3A_373 : vector<1x16xf32> to vector<16xf32>
      %add3A_375 = arith.addf %add3A_357, %get3A_374 : vector<16xf32>
      %mul3A_376 = arith.constant 20 : i32
      %mul3A_377 = arith.muli %scan3A_328, %mul3A_376 : i32
      %add3A_378 = arith.constant 2 : i32
      %add3A_379 = arith.addi %mul3A_377, %add3A_378 : i32
      %get3A_380 = arith.index_cast %add3A_379 : i32 to index
      %get3A_381 = arith.constant 16 : index
      %get3A_382 = tpu.vector_load %arg6[%get3A_380, %get3A_381] {strides = array<i32>} : memref<2560x32xf32, #tpu.memory_space<vmem>>, vector<1x16xf32>,
      %get3A_383 = vector.shape_cast %get3A_382 : vector<1x16xf32> to vector<16xf32>
      %add3A_384 = arith.addf %add3A_366, %get3A_383 : vector<16xf32>
      %mul3A_385 = arith.constant 20 : i32
      %mul3A_386 = arith.muli %scan3A_328, %mul3A_385 : i32
      %add3A_387 = arith.constant 3 : i32
      %add3A_388 = arith.addi %mul3A_386, %add3A_387 : i32
      %get3A_389 = arith.index_cast %add3A_388 : i32 to index
      %get3A_390 = arith.constant 0 : index
      %get3A_391 = tpu.vector_load %arg6[%get3A_389, %get3A_390] {strides = array<i32>} : memref<2560x32xf32, #tpu.memory_space<vmem>>, vector<1x16xf32>,
      %get3A_392 = vector.shape_cast %get3A_391 : vector<1x16xf32> to vector<16xf32>
      %add3A_393 = arith.addf %add3A_375, %get3A_392 : vector<16xf32>
      %mul3A_394 = arith.constant 20 : i32
      %mul3A_395 = arith.muli %scan3A_328, %mul3A_394 : i32
      %add3A_396 = arith.constant 3 : i32
      %add3A_397 = arith.addi %mul3A_395, %add3A_396 : i32
      %get3A_398 = arith.index_cast %add3A_397 : i32 to index
      %get3A_399 = arith.constant 16 : index
      %get3A_400 = tpu.vector_load %arg6[%get3A_398, %get3A_399] {strides = array<i32>} : memref<2560x32xf32, #tpu.memory_space<vmem>>, vector<1x16xf32>,
      %get3A_401 = vector.shape_cast %get3A_400 : vector<1x16xf32> to vector<16xf32>
      %add3A_402 = arith.addf %add3A_384, %get3A_401 : vector<16xf32>
      %mul3A_403 = arith.constant 20 : i32
      %mul3A_404 = arith.muli %scan3A_328, %mul3A_403 : i32
      %add3A_405 = arith.constant 4 : i32
      %add3A_406 = arith.addi %mul3A_404, %add3A_405 : i32
      %get3A_407 = arith.index_cast %add3A_406 : i32 to index
      %get3A_408 = arith.constant 0 : index
      %get3A_409 = tpu.vector_load %arg6[%get3A_407, %get3A_408] {strides = array<i32>} : memref<2560x32xf32, #tpu.memory_space<vmem>>, vector<1x16xf32>,
      %get3A_410 = vector.shape_cast %get3A_409 : vector<1x16xf32> to vector<16xf32>
      %add3A_411 = arith.addf %add3A_393, %get3A_410 : vector<16xf32>
      %mul3A_412 = arith.constant 20 : i32
      %mul3A_413 = arith.muli %scan3A_328, %mul3A_412 : i32
      %add3A_414 = arith.constant 4 : i32
      %add3A_415 = arith.addi %mul3A_413, %add3A_414 : i32
      %get3A_416 = arith.index_cast %add3A_415 : i32 to index
      %get3A_417 = arith.constant 16 : index
      %get3A_418 = tpu.vector_load %arg6[%get3A_416, %get3A_417] {strides = array<i32>} : memref<2560x32xf32, #tpu.memory_space<vmem>>, vector<1x16xf32>,
      %get3A_419 = vector.shape_cast %get3A_418 : vector<1x16xf32> to vector<16xf32>
      %add3A_420 = arith.addf %add3A_402, %get3A_419 : vector<16xf32>
      %mul3A_421 = arith.constant 20 : i32
      %mul3A_422 = arith.muli %scan3A_328, %mul3A_421 : i32
      %add3A_423 = arith.constant 5 : i32
      %add3A_424 = arith.addi %mul3A_422, %add3A_423 : i32
      %get3A_425 = arith.index_cast %add3A_424 : i32 to index
      %get3A_426 = arith.constant 0 : index
      %get3A_427 = tpu.vector_load %arg6[%get3A_425, %get3A_426] {strides = array<i32>} : memref<2560x32xf32, #tpu.memory_space<vmem>>, vector<1x16xf32>,
      %get3A_428 = vector.shape_cast %get3A_427 : vector<1x16xf32> to vector<16xf32>
      %add3A_429 = arith.addf %add3A_411, %get3A_428 : vector<16xf32>
      %mul3A_430 = arith.constant 20 : i32
      %mul3A_431 = arith.muli %scan3A_328, %mul3A_430 : i32
      %add3A_432 = arith.constant 5 : i32
      %add3A_433 = arith.addi %mul3A_431, %add3A_432 : i32
      %get3A_434 = arith.index_cast %add3A_433 : i32 to index
      %get3A_435 = arith.constant 16 : index
      %get3A_436 = tpu.vector_load %arg6[%get3A_434, %get3A_435] {strides = array<i32>} : memref<2560x32xf32, #tpu.memory_space<vmem>>, vector<1x16xf32>,
      %get3A_437 = vector.shape_cast %get3A_436 : vector<1x16xf32> to vector<16xf32>
      %add3A_438 = arith.addf %add3A_420, %get3A_437 : vector<16xf32>
      %mul3A_439 = arith.constant 20 : i32
      %mul3A_440 = arith.muli %scan3A_328, %mul3A_439 : i32
      %add3A_441 = arith.constant 6 : i32
      %add3A_442 = arith.addi %mul3A_440, %add3A_441 : i32
      %get3A_443 = arith.index_cast %add3A_442 : i32 to index
      %get3A_444 = arith.constant 0 : index
      %get3A_445 = tpu.vector_load %arg6[%get3A_443, %get3A_444] {strides = array<i32>} : memref<2560x32xf32, #tpu.memory_space<vmem>>, vector<1x16xf32>,
      %get3A_446 = vector.shape_cast %get3A_445 : vector<1x16xf32> to vector<16xf32>
      %add3A_447 = arith.addf %add3A_429, %get3A_446 : vector<16xf32>
      %mul3A_448 = arith.constant 20 : i32
      %mul3A_449 = arith.muli %scan3A_328, %mul3A_448 : i32
      %add3A_450 = arith.constant 6 : i32
      %add3A_451 = arith.addi %mul3A_449, %add3A_450 : i32
      %get3A_452 = arith.index_cast %add3A_451 : i32 to index
      %get3A_453 = arith.constant 16 : index
      %get3A_454 = tpu.vector_load %arg6[%get3A_452, %get3A_453] {strides = array<i32>} : memref<2560x32xf32, #tpu.memory_space<vmem>>, vector<1x16xf32>,
      %get3A_455 = vector.shape_cast %get3A_454 : vector<1x16xf32> to vector<16xf32>
      %add3A_456 = arith.addf %add3A_438, %get3A_455 : vector<16xf32>
      %mul3A_457 = arith.constant 20 : i32
      %mul3A_458 = arith.muli %scan3A_328, %mul3A_457 : i32
      %add3A_459 = arith.constant 7 : i32
      %add3A_460 = arith.addi %mul3A_458, %add3A_459 : i32
      %get3A_461 = arith.index_cast %add3A_460 : i32 to index
      %get3A_462 = arith.constant 0 : index
      %get3A_463 = tpu.vector_load %arg6[%get3A_461, %get3A_462] {strides = array<i32>} : memref<2560x32xf32, #tpu.memory_space<vmem>>, vector<1x16xf32>,
      %get3A_464 = vector.shape_cast %get3A_463 : vector<1x16xf32> to vector<16xf32>
      %add3A_465 = arith.addf %add3A_447, %get3A_464 : vector<16xf32>
      %mul3A_466 = arith.constant 20 : i32
      %mul3A_467 = arith.muli %scan3A_328, %mul3A_466 : i32
      %add3A_468 = arith.constant 7 : i32
      %add3A_469 = arith.addi %mul3A_467, %add3A_468 : i32
      %get3A_470 = arith.index_cast %add3A_469 : i32 to index
      %get3A_471 = arith.constant 16 : index
      %get3A_472 = tpu.vector_load %arg6[%get3A_470, %get3A_471] {strides = array<i32>} : memref<2560x32xf32, #tpu.memory_space<vmem>>, vector<1x16xf32>,
      %get3A_473 = vector.shape_cast %get3A_472 : vector<1x16xf32> to vector<16xf32>
      %add3A_474 = arith.addf %add3A_456, %get3A_473 : vector<16xf32>
      %mul3A_475 = arith.constant 20 : i32
      %mul3A_476 = arith.muli %scan3A_328, %mul3A_475 : i32
      %add3A_477 = arith.constant 8 : i32
      %add3A_478 = arith.addi %mul3A_476, %add3A_477 : i32
      %get3A_479 = arith.index_cast %add3A_478 : i32 to index
      %get3A_480 = arith.constant 0 : index
      %get3A_481 = tpu.vector_load %arg6[%get3A_479, %get3A_480] {strides = array<i32>} : memref<2560x32xf32, #tpu.memory_space<vmem>>, vector<1x16xf32>,
      %get3A_482 = vector.shape_cast %get3A_481 : vector<1x16xf32> to vector<16xf32>
      %add3A_483 = arith.addf %add3A_465, %get3A_482 : vector<16xf32>
      %mul3A_484 = arith.constant 20 : i32
      %mul3A_485 = arith.muli %scan3A_328, %mul3A_484 : i32
      %add3A_486 = arith.constant 8 : i32
      %add3A_487 = arith.addi %mul3A_485, %add3A_486 : i32
      %get3A_488 = arith.index_cast %add3A_487 : i32 to index
      %get3A_489 = arith.constant 16 : index
      %get3A_490 = tpu.vector_load %arg6[%get3A_488, %get3A_489] {strides = array<i32>} : memref<2560x32xf32, #tpu.memory_space<vmem>>, vector<1x16xf32>,
      %get3A_491 = vector.shape_cast %get3A_490 : vector<1x16xf32> to vector<16xf32>
      %add3A_492 = arith.addf %add3A_474, %get3A_491 : vector<16xf32>
      %mul3A_493 = arith.constant 20 : i32
      %mul3A_494 = arith.muli %scan3A_328, %mul3A_493 : i32
      %add3A_495 = arith.constant 9 : i32
      %add3A_496 = arith.addi %mul3A_494, %add3A_495 : i32
      %get3A_497 = arith.index_cast %add3A_496 : i32 to index
      %get3A_498 = arith.constant 0 : index
      %get3A_499 = tpu.vector_load %arg6[%get3A_497, %get3A_498] {strides = array<i32>} : memref<2560x32xf32, #tpu.memory_space<vmem>>, vector<1x16xf32>,
      %get3A_500 = vector.shape_cast %get3A_499 : vector<1x16xf32> to vector<16xf32>
      %add3A_501 = arith.addf %add3A_483, %get3A_500 : vector<16xf32>
      %mul3A_502 = arith.constant 20 : i32
      %mul3A_503 = arith.muli %scan3A_328, %mul3A_502 : i32
      %add3A_504 = arith.constant 9 : i32
      %add3A_505 = arith.addi %mul3A_503, %add3A_504 : i32
      %get3A_506 = arith.index_cast %add3A_505 : i32 to index
      %get3A_507 = arith.constant 16 : index
      %get3A_508 = tpu.vector_load %arg6[%get3A_506, %get3A_507] {strides = array<i32>} : memref<2560x32xf32, #tpu.memory_space<vmem>>, vector<1x16xf32>,
      %get3A_509 = vector.shape_cast %get3A_508 : vector<1x16xf32> to vector<16xf32>
      %add3A_510 = arith.addf %add3A_492, %get3A_509 : vector<16xf32>
      %mul3A_511 = arith.constant 20 : i32
      %mul3A_512 = arith.muli %scan3A_328, %mul3A_511 : i32
      %add3A_513 = arith.constant 10 : i32
      %add3A_514 = arith.addi %mul3A_512, %add3A_513 : i32
      %get3A_515 = arith.index_cast %add3A_514 : i32 to index
      %get3A_516 = arith.constant 0 : index
      %get3A_517 = tpu.vector_load %arg6[%get3A_515, %get3A_516] {strides = array<i32>} : memref<2560x32xf32, #tpu.memory_space<vmem>>, vector<1x16xf32>,
      %get3A_518 = vector.shape_cast %get3A_517 : vector<1x16xf32> to vector<16xf32>
      %add3A_519 = arith.addf %add3A_501, %get3A_518 : vector<16xf32>
      %mul3A_520 = arith.constant 20 : i32
      %mul3A_521 = arith.muli %scan3A_328, %mul3A_520 : i32
      %add3A_522 = arith.constant 10 : i32
      %add3A_523 = arith.addi %mul3A_521, %add3A_522 : i32
      %get3A_524 = arith.index_cast %add3A_523 : i32 to index
      %get3A_525 = arith.constant 16 : index
      %get3A_526 = tpu.vector_load %arg6[%get3A_524, %get3A_525] {strides = array<i32>} : memref<2560x32xf32, #tpu.memory_space<vmem>>, vector<1x16xf32>,
      %get3A_527 = vector.shape_cast %get3A_526 : vector<1x16xf32> to vector<16xf32>
      %add3A_528 = arith.addf %add3A_510, %get3A_527 : vector<16xf32>
      %mul3A_529 = arith.constant 20 : i32
      %mul3A_530 = arith.muli %scan3A_328, %mul3A_529 : i32
      %add3A_531 = arith.constant 11 : i32
      %add3A_532 = arith.addi %mul3A_530, %add3A_531 : i32
      %get3A_533 = arith.index_cast %add3A_532 : i32 to index
      %get3A_534 = arith.constant 0 : index
      %get3A_535 = tpu.vector_load %arg6[%get3A_533, %get3A_534] {strides = array<i32>} : memref<2560x32xf32, #tpu.memory_space<vmem>>, vector<1x16xf32>,
      %get3A_536 = vector.shape_cast %get3A_535 : vector<1x16xf32> to vector<16xf32>
      %add3A_537 = arith.addf %add3A_519, %get3A_536 : vector<16xf32>
      %mul3A_538 = arith.constant 20 : i32
      %mul3A_539 = arith.muli %scan3A_328, %mul3A_538 : i32
      %add3A_540 = arith.constant 11 : i32
      %add3A_541 = arith.addi %mul3A_539, %add3A_540 : i32
      %get3A_542 = arith.index_cast %add3A_541 : i32 to index
      %get3A_543 = arith.constant 16 : index
      %get3A_544 = tpu.vector_load %arg6[%get3A_542, %get3A_543] {strides = array<i32>} : memref<2560x32xf32, #tpu.memory_space<vmem>>, vector<1x16xf32>,
      %get3A_545 = vector.shape_cast %get3A_544 : vector<1x16xf32> to vector<16xf32>
      %add3A_546 = arith.addf %add3A_528, %get3A_545 : vector<16xf32>
      %mul3A_547 = arith.constant 20 : i32
      %mul3A_548 = arith.muli %scan3A_328, %mul3A_547 : i32
      %add3A_549 = arith.constant 12 : i32
      %add3A_550 = arith.addi %mul3A_548, %add3A_549 : i32
      %get3A_551 = arith.index_cast %add3A_550 : i32 to index
      %get3A_552 = arith.constant 0 : index
      %get3A_553 = tpu.vector_load %arg6[%get3A_551, %get3A_552] {strides = array<i32>} : memref<2560x32xf32, #tpu.memory_space<vmem>>, vector<1x16xf32>,
      %get3A_554 = vector.shape_cast %get3A_553 : vector<1x16xf32> to vector<16xf32>
      %add3A_555 = arith.addf %add3A_537, %get3A_554 : vector<16xf32>
      %mul3A_556 = arith.constant 20 : i32
      %mul3A_557 = arith.muli %scan3A_328, %mul3A_556 : i32
      %add3A_558 = arith.constant 12 : i32
      %add3A_559 = arith.addi %mul3A_557, %add3A_558 : i32
      %get3A_560 = arith.index_cast %add3A_559 : i32 to index
      %get3A_561 = arith.constant 16 : index
      %get3A_562 = tpu.vector_load %arg6[%get3A_560, %get3A_561] {strides = array<i32>} : memref<2560x32xf32, #tpu.memory_space<vmem>>, vector<1x16xf32>,
      %get3A_563 = vector.shape_cast %get3A_562 : vector<1x16xf32> to vector<16xf32>
      %add3A_564 = arith.addf %add3A_546, %get3A_563 : vector<16xf32>
      %mul3A_565 = arith.constant 20 : i32
      %mul3A_566 = arith.muli %scan3A_328, %mul3A_565 : i32
      %add3A_567 = arith.constant 13 : i32
      %add3A_568 = arith.addi %mul3A_566, %add3A_567 : i32
      %get3A_569 = arith.index_cast %add3A_568 : i32 to index
      %get3A_570 = arith.constant 0 : index
      %get3A_571 = tpu.vector_load %arg6[%get3A_569, %get3A_570] {strides = array<i32>} : memref<2560x32xf32, #tpu.memory_space<vmem>>, vector<1x16xf32>,
      %get3A_572 = vector.shape_cast %get3A_571 : vector<1x16xf32> to vector<16xf32>
      %add3A_573 = arith.addf %add3A_555, %get3A_572 : vector<16xf32>
      %mul3A_574 = arith.constant 20 : i32
      %mul3A_575 = arith.muli %scan3A_328, %mul3A_574 : i32
      %add3A_576 = arith.constant 13 : i32
      %add3A_577 = arith.addi %mul3A_575, %add3A_576 : i32
      %get3A_578 = arith.index_cast %add3A_577 : i32 to index
      %get3A_579 = arith.constant 16 : index
      %get3A_580 = tpu.vector_load %arg6[%get3A_578, %get3A_579] {strides = array<i32>} : memref<2560x32xf32, #tpu.memory_space<vmem>>, vector<1x16xf32>,
      %get3A_581 = vector.shape_cast %get3A_580 : vector<1x16xf32> to vector<16xf32>
      %add3A_582 = arith.addf %add3A_564, %get3A_581 : vector<16xf32>
      %mul3A_583 = arith.constant 20 : i32
      %mul3A_584 = arith.muli %scan3A_328, %mul3A_583 : i32
      %add3A_585 = arith.constant 14 : i32
      %add3A_586 = arith.addi %mul3A_584, %add3A_585 : i32
      %get3A_587 = arith.index_cast %add3A_586 : i32 to index
      %get3A_588 = arith.constant 0 : index
      %get3A_589 = tpu.vector_load %arg6[%get3A_587, %get3A_588] {strides = array<i32>} : memref<2560x32xf32, #tpu.memory_space<vmem>>, vector<1x16xf32>,
      %get3A_590 = vector.shape_cast %get3A_589 : vector<1x16xf32> to vector<16xf32>
      %add3A_591 = arith.addf %add3A_573, %get3A_590 : vector<16xf32>
      %mul3A_592 = arith.constant 20 : i32
      %mul3A_593 = arith.muli %scan3A_328, %mul3A_592 : i32
      %add3A_594 = arith.constant 14 : i32
      %add3A_595 = arith.addi %mul3A_593, %add3A_594 : i32
      %get3A_596 = arith.index_cast %add3A_595 : i32 to index
      %get3A_597 = arith.constant 16 : index
      %get3A_598 = tpu.vector_load %arg6[%get3A_596, %get3A_597] {strides = array<i32>} : memref<2560x32xf32, #tpu.memory_space<vmem>>, vector<1x16xf32>,
      %get3A_599 = vector.shape_cast %get3A_598 : vector<1x16xf32> to vector<16xf32>
      %add3A_600 = arith.addf %add3A_582, %get3A_599 : vector<16xf32>
      %mul3A_601 = arith.constant 20 : i32
      %mul3A_602 = arith.muli %scan3A_328, %mul3A_601 : i32
      %add3A_603 = arith.constant 15 : i32
      %add3A_604 = arith.addi %mul3A_602, %add3A_603 : i32
      %get3A_605 = arith.index_cast %add3A_604 : i32 to index
      %get3A_606 = arith.constant 0 : index
      %get3A_607 = tpu.vector_load %arg6[%get3A_605, %get3A_606] {strides = array<i32>} : memref<2560x32xf32, #tpu.memory_space<vmem>>, vector<1x16xf32>,
      %get3A_608 = vector.shape_cast %get3A_607 : vector<1x16xf32> to vector<16xf32>
      %add3A_609 = arith.addf %add3A_591, %get3A_608 : vector<16xf32>
      %mul3A_610 = arith.constant 20 : i32
      %mul3A_611 = arith.muli %scan3A_328, %mul3A_610 : i32
      %add3A_612 = arith.constant 15 : i32
      %add3A_613 = arith.addi %mul3A_611, %add3A_612 : i32
      %get3A_614 = arith.index_cast %add3A_613 : i32 to index
      %get3A_615 = arith.constant 16 : index
      %get3A_616 = tpu.vector_load %arg6[%get3A_614, %get3A_615] {strides = array<i32>} : memref<2560x32xf32, #tpu.memory_space<vmem>>, vector<1x16xf32>,
      %get3A_617 = vector.shape_cast %get3A_616 : vector<1x16xf32> to vector<16xf32>
      %add3A_618 = arith.addf %add3A_600, %get3A_617 : vector<16xf32>
      %mul3A_619 = arith.constant 20 : i32
      %mul3A_620 = arith.muli %scan3A_328, %mul3A_619 : i32
      %add3A_621 = arith.constant 16 : i32
      %add3A_622 = arith.addi %mul3A_620, %add3A_621 : i32
      %get3A_623 = arith.index_cast %add3A_622 : i32 to index
      %get3A_624 = arith.constant 0 : index
      %get3A_625 = tpu.vector_load %arg6[%get3A_623, %get3A_624] {strides = array<i32>} : memref<2560x32xf32, #tpu.memory_space<vmem>>, vector<1x16xf32>,
      %get3A_626 = vector.shape_cast %get3A_625 : vector<1x16xf32> to vector<16xf32>
      %add3A_627 = arith.addf %add3A_609, %get3A_626 : vector<16xf32>
      %mul3A_628 = arith.constant 20 : i32
      %mul3A_629 = arith.muli %scan3A_328, %mul3A_628 : i32
      %add3A_630 = arith.constant 16 : i32
      %add3A_631 = arith.addi %mul3A_629, %add3A_630 : i32
      %get3A_632 = arith.index_cast %add3A_631 : i32 to index
      %get3A_633 = arith.constant 16 : index
      %get3A_634 = tpu.vector_load %arg6[%get3A_632, %get3A_633] {strides = array<i32>} : memref<2560x32xf32, #tpu.memory_space<vmem>>, vector<1x16xf32>,
      %get3A_635 = vector.shape_cast %get3A_634 : vector<1x16xf32> to vector<16xf32>
      %add3A_636 = arith.addf %add3A_618, %get3A_635 : vector<16xf32>
      %mul3A_637 = arith.constant 20 : i32
      %mul3A_638 = arith.muli %scan3A_328, %mul3A_637 : i32
      %add3A_639 = arith.constant 17 : i32
      %add3A_640 = arith.addi %mul3A_638, %add3A_639 : i32
      %get3A_641 = arith.index_cast %add3A_640 : i32 to index
      %get3A_642 = arith.constant 0 : index
      %get3A_643 = tpu.vector_load %arg6[%get3A_641, %get3A_642] {strides = array<i32>} : memref<2560x32xf32, #tpu.memory_space<vmem>>, vector<1x16xf32>,
      %get3A_644 = vector.shape_cast %get3A_643 : vector<1x16xf32> to vector<16xf32>
      %add3A_645 = arith.addf %add3A_627, %get3A_644 : vector<16xf32>
      %mul3A_646 = arith.constant 20 : i32
      %mul3A_647 = arith.muli %scan3A_328, %mul3A_646 : i32
      %add3A_648 = arith.constant 17 : i32
      %add3A_649 = arith.addi %mul3A_647, %add3A_648 : i32
      %get3A_650 = arith.index_cast %add3A_649 : i32 to index
      %get3A_651 = arith.constant 16 : index
      %get3A_652 = tpu.vector_load %arg6[%get3A_650, %get3A_651] {strides = array<i32>} : memref<2560x32xf32, #tpu.memory_space<vmem>>, vector<1x16xf32>,
      %get3A_653 = vector.shape_cast %get3A_652 : vector<1x16xf32> to vector<16xf32>
      %add3A_654 = arith.addf %add3A_636, %get3A_653 : vector<16xf32>
      %mul3A_655 = arith.constant 20 : i32
      %mul3A_656 = arith.muli %scan3A_328, %mul3A_655 : i32
      %add3A_657 = arith.constant 18 : i32
      %add3A_658 = arith.addi %mul3A_656, %add3A_657 : i32
      %get3A_659 = arith.index_cast %add3A_658 : i32 to index
      %get3A_660 = arith.constant 0 : index
      %get3A_661 = tpu.vector_load %arg6[%get3A_659, %get3A_660] {strides = array<i32>} : memref<2560x32xf32, #tpu.memory_space<vmem>>, vector<1x16xf32>,
      %get3A_662 = vector.shape_cast %get3A_661 : vector<1x16xf32> to vector<16xf32>
      %add3A_663 = arith.addf %add3A_645, %get3A_662 : vector<16xf32>
      %mul3A_664 = arith.constant 20 : i32
      %mul3A_665 = arith.muli %scan3A_328, %mul3A_664 : i32
      %add3A_666 = arith.constant 18 : i32
      %add3A_667 = arith.addi %mul3A_665, %add3A_666 : i32
      %get3A_668 = arith.index_cast %add3A_667 : i32 to index
      %get3A_669 = arith.constant 16 : index
      %get3A_670 = tpu.vector_load %arg6[%get3A_668, %get3A_669] {strides = array<i32>} : memref<2560x32xf32, #tpu.memory_space<vmem>>, vector<1x16xf32>,
      %get3A_671 = vector.shape_cast %get3A_670 : vector<1x16xf32> to vector<16xf32>
      %add3A_672 = arith.addf %add3A_654, %get3A_671 : vector<16xf32>
      %mul3A_673 = arith.constant 20 : i32
      %mul3A_674 = arith.muli %scan3A_328, %mul3A_673 : i32
      %add3A_675 = arith.constant 19 : i32
      %add3A_676 = arith.addi %mul3A_674, %add3A_675 : i32
      %get3A_677 = arith.index_cast %add3A_676 : i32 to index
      %get3A_678 = arith.constant 0 : index
      %get3A_679 = tpu.vector_load %arg6[%get3A_677, %get3A_678] {strides = array<i32>} : memref<2560x32xf32, #tpu.memory_space<vmem>>, vector<1x16xf32>,
      %get3A_680 = vector.shape_cast %get3A_679 : vector<1x16xf32> to vector<16xf32>
      %add3A_681 = arith.addf %add3A_663, %get3A_680 : vector<16xf32>
      %mul3A_682 = arith.constant 20 : i32
      %mul3A_683 = arith.muli %scan3A_328, %mul3A_682 : i32
      %add3A_684 = arith.constant 19 : i32
      %add3A_685 = arith.addi %mul3A_683, %add3A_684 : i32
      %get3A_686 = arith.index_cast %add3A_685 : i32 to index
      %get3A_687 = arith.constant 16 : index
      %get3A_688 = tpu.vector_load %arg6[%get3A_686, %get3A_687] {strides = array<i32>} : memref<2560x32xf32, #tpu.memory_space<vmem>>, vector<1x16xf32>,
      %get3A_689 = vector.shape_cast %get3A_688 : vector<1x16xf32> to vector<16xf32>
      %add3A_690 = arith.addf %add3A_672, %get3A_689 : vector<16xf32>
      %swap3A = arith.index_cast %scan3A_328 : i32 to index
      %swap3A_691 = arith.constant 0 : index
      %swap3A_692 = tpu.vector_load %arg7[%swap3A, %swap3A_691] {strides = array<i32>} : memref<128x32xf32, #tpu.memory_space<vmem>>, vector<1x16xf32>,
      %swap3A_693 = vector.shape_cast %swap3A_692 : vector<1x16xf32> to vector<16xf32>
      %swap3A_694 = vector.shape_cast %add3A_681 : vector<16xf32> to vector<1x16xf32>
      tpu.vector_store %arg7[%swap3A, %swap3A_691], %swap3A_694 {strides = array<i32>} : memref<128x32xf32, #tpu.memory_space<vmem>>, vector<1x16xf32>,
      %swap3A_695 = arith.index_cast %scan3A_328 : i32 to index
      %swap3A_696 = arith.constant 16 : index
      %swap3A_697 = tpu.vector_load %arg7[%swap3A_695, %swap3A_696] {strides = array<i32>} : memref<128x32xf32, #tpu.memory_space<vmem>>, vector<1x16xf32>,
      %swap3A_698 = vector.shape_cast %swap3A_697 : vector<1x16xf32> to vector<16xf32>
      %swap3A_699 = vector.shape_cast %add3A_690 : vector<16xf32> to vector<1x16xf32>
      tpu.vector_store %arg7[%swap3A_695, %swap3A_696], %swap3A_699 {strides = array<i32>} : memref<128x32xf32, #tpu.memory_space<vmem>>, vector<1x16xf32>,
    }
    %scan3A_325 = arith.constant 128 : i32
    %mul3A_326 = arith.constant 128 : i32
    %mul3A_327 = arith.muli %add3A, %mul3A_326 : i32
    "tpu.region"() ({
      %run_scoped3A = tpu.sem_alloc : memref<!tpu.dma_semaphore, #tpu.memory_space<semaphore_mem>>
      %dma_start3A_328 = arith.constant 0 : i32
      %dma_start3A_329 = tpu.memref_slice %arg4[%mul3A_327, %dma_start3A_328] : memref<4096x32xf32, #tpu.memory_space<hbm>> -> memref<128x32xf32, #tpu.memory_space<hbm>>
      %dma_start3A_330 = arith.constant 0 : i32
      %dma_start3A_331 = tpu.memref_slice %arg4[%mul3A_327, %dma_start3A_330] : memref<4096x32xf32, #tpu.memory_space<hbm>> -> memref<128x32xf32, #tpu.memory_space<hbm>>
      tpu.enqueue_dma source(%arg7 : memref<128x32xf32, #tpu.memory_space<vmem>>) target(%dma_start3A_331 : memref<128x32xf32, #tpu.memory_space<hbm>>) target_semaphore(%run_scoped3A : memref<!tpu.dma_semaphore, #tpu.memory_space<semaphore_mem>>)
      %dma_wait3A_332 = arith.constant 0 : i32
      %dma_wait3A_333 = tpu.memref_slice %arg4[%mul3A_327, %dma_wait3A_332] : memref<4096x32xf32, #tpu.memory_space<hbm>> -> memref<128x32xf32, #tpu.memory_space<hbm>>
      %dma_wait3A_334 = arith.constant 0 : i32
      %dma_wait3A_335 = tpu.memref_slice %arg4[%mul3A_327, %dma_wait3A_334] : memref<4096x32xf32, #tpu.memory_space<hbm>> -> memref<128x32xf32, #tpu.memory_space<hbm>>
      tpu.wait_dma2 semaphore(%run_scoped3A : memref<!tpu.dma_semaphore, #tpu.memory_space<semaphore_mem>>) src(%arg7 : memref<128x32xf32, #tpu.memory_space<vmem>>) dst(%dma_wait3A_335 : memref<128x32xf32, #tpu.memory_space<hbm>>)
      tpu.yield
    }) : () -> ()
    return
  }
}

module attributes {stable_mosaic.version = 14 : i64} {
  func.func @_fused_body(%arg0: i32, %arg1: memref<32x32xbf16, #tpu.memory_space<vmem>>, %arg2: memref<32x100000xbf16, #tpu.memory_space<vmem>>, %arg3: memref<1x100000xf32, #tpu.memory_space<vmem>>, %arg4: memref<32x100000xbf16, #tpu.memory_space<vmem>>) attributes {dimension_semantics = [#tpu.dimension_semantics<arbitrary>], iteration_bounds = array<i64: 128>, scalar_prefetch = 0 : i64, scratch_operands = 0 : i64, tpu.core_type = #tpu.core_type<tc>, window_params = [{transform_indices = @transform_0, window_bounds = array<i64: 32, 32>}, {pipeline_mode = #tpu.pipeline_mode<synchronous>, transform_indices = @transform_1, window_bounds = array<i64: 32, 100000>}, {pipeline_mode = #tpu.pipeline_mode<synchronous>, transform_indices = @transform_2, window_bounds = array<i64: 1, 100000>}, {transform_indices = @transform_3, window_bounds = array<i64: 32, 100000>}]} {
    %get3A = arith.constant 0 : index
    %get3A_0 = arith.constant 0 : index
    %get3A_1 = vector.load %arg1[%get3A, %get3A_0] : memref<32x32xbf16, #tpu.memory_space<vmem>>, vector<32x32xbf16>
    %get3A_2 = arith.constant 0 : index
    %get3A_3 = arith.constant 0 : index
    %get3A_4 = vector.load %arg2[%get3A_2, %get3A_3] : memref<32x100000xbf16, #tpu.memory_space<vmem>>, vector<32x100000xbf16>
    %dot_general3A = arith.constant dense<0.000000e+00> : vector<32x100000xf32>
    %dot_general3A_5 = tpu.matmul %get3A_1, %get3A_4, %dot_general3A {dimension_numbers = #tpu.dot_dimension_numbers<[1], [0], [0], [1], [0, 0, 1, 1], [], []>, transpose_lhs_hint = false} : vector<32x32xbf16>, vector<32x100000xbf16>, vector<32x100000xf32> -> vector<32x100000xf32>
    %get3A_6 = arith.constant 0 : index
    %get3A_7 = arith.constant 0 : index
    %get3A_8 = vector.load %arg3[%get3A_6, %get3A_7] : memref<1x100000xf32, #tpu.memory_space<vmem>>, vector<1x100000xf32>
    %add3A = vector.broadcast %get3A_8 : vector<1x100000xf32> to vector<32x100000xf32>
    %add3A_9 = arith.addf %dot_general3A_5, %add3A : vector<32x100000xf32>
    %exp3A = math.exp %add3A_9 : vector<32x100000xf32>
    %reduce_sum3A = arith.constant dense<0.000000e+00> : vector<32xf32>
    %reduce_sum3A_10 = vector.multi_reduction <add>, %exp3A, %reduce_sum3A [1] : vector<32x100000xf32> to vector<32xf32>
    %broadcast_in_dim3A = vector.shape_cast %reduce_sum3A_10 : vector<32xf32> to vector<32x1xf32>
    %log3A = math.log %broadcast_in_dim3A : vector<32x1xf32>
    %sub3A = vector.broadcast %log3A : vector<32x1xf32> to vector<32x100000xf32>
    %sub3A_11 = arith.subf %add3A_9, %sub3A : vector<32x100000xf32>
    %convert_element_type3A = arith.truncf %sub3A_11 : vector<32x100000xf32> to vector<32x100000xbf16>
    %swap3A = arith.constant 0 : index
    %swap3A_12 = arith.constant 0 : index
    %swap3A_13 = vector.load %arg4[%swap3A, %swap3A_12] : memref<32x100000xbf16, #tpu.memory_space<vmem>>, vector<32x100000xbf16>
    tpu.vector_store %arg4[%swap3A, %swap3A_12], %convert_element_type3A {strides = array<i32>} : memref<32x100000xbf16, #tpu.memory_space<vmem>>, vector<32x100000xbf16>,
    return
  }
  func.func @transform_0(%arg0: i32) -> (i32, i32) {
    %c0_i32 = arith.constant 0 : i32
    %c0_i32_0 = arith.constant 0 : i32
    return %arg0, %c0_i32 : i32, i32
  }
  func.func @transform_1(%arg0: i32) -> (i32, i32) {
    %c0_i32 = arith.constant 0 : i32
    %c0_i32_0 = arith.constant 0 : i32
    %c0_i32_1 = arith.constant 0 : i32
    return %c0_i32, %c0_i32_0 : i32, i32
  }
  func.func @transform_2(%arg0: i32) -> (i32, i32) {
    %c0_i32 = arith.constant 0 : i32
    %c0_i32_0 = arith.constant 0 : i32
    %c0_i32_1 = arith.constant 0 : i32
    return %c0_i32, %c0_i32_0 : i32, i32
  }
  func.func @transform_3(%arg0: i32) -> (i32, i32) {
    %c0_i32 = arith.constant 0 : i32
    %c0_i32_0 = arith.constant 0 : i32
    return %arg0, %c0_i32 : i32, i32
  }
}

</mosaic_0001>

<sc_bundles>
// kernel: kernel.4.cloned.1.call-start
scs
__scs_entry_jumppad:
0x0: {  	(pc) =	sbr.rel $0x88, $3  }
0x1: {  	(tag) =	ssettag $0x0;
	lr =	simm.s32 $0x1  }
0x2: {  	[smem:$0x3F9D] =	sst lr;
	_ =	strace $0xD0000000  }
0x3: {  	_ = 	snop  }
0x4: {  	_ = 	snop  }
0x5: {  	_ = 	snop  }
0x6: {  	_ = 	snop  }
0x7: {  	_ = 	snop  }
__scs_overlays_trampoline_lowered:
0x8: {  	[smem:$0x3FAC] =	sst s0  }
0x9: {  	[smem:$0x3FAD] =	sst s1  }
0xa: {  	[smem:$0x3FAE] =	sst s2  }
0xb: {  	[smem:$0x3FAF] =	sst s3  }
0xc: {  	[smem:$0x3FB0] =	sst s4  }
0xd: {  	[smem:$0x3FB1] =	sst s5  }
0xe: {  	[smem:$0x3FB2] =	sst s6  }
0xf: {  	[smem:$0x3FB3] =	sst s7  }
0x10: {  	[smem:$0x3FB4] =	sst s8  }
0x11: {  	[smem:$0x3FB5] =	sst s9;
	s0 =	simm.s32 @!p0 $0x0  }
0x12: {  	s1 =	sld [smem:$0x3F9B];
	s0 =	simm.s32 @p0 $0x1  }
0x13: {  	[smem:$0x3FB6] =	sst s0;
	s0 =	simm.s32 @!p1 $0x0  }
0x14: {  	s2 =	sld [smem:$0x3F9A];
	s0 =	simm.s32 @p1 $0x1  }
0x15: {  	[smem:$0x3FB7] =	sst s0;
	s0 =	simm.s32 @!p2 $0x0  }
0x16: {  	s3 =	sld [smem:$0x3FDB];
	s0 =	simm.s32 @p2 $0x1  }
0x17: {  	s4 =	simm.s32 $0x1BF5;
	[smem:$0x3FB9] =	sst s0  }
0x18: {  	s0 =	sld [smem:$0x3F9C];
	_ =	swait.ge [sflag:s4], $0x0  }
0x19: {  	s7 =	sld [smem:$0x3F9D]  }
0x1a: {  	s8 =	sadd.s32 $0xFFFFE003, lr  }
0x1b: {  	s9 =	sadd.s32 $0xFFFFFEF7, lr;
	s5 =	simm.s32 $0xFFFFFFFF;
	p2 =	slt.u32 s8, $0xFFFFF086  }
0x1c: {  	p1 =	slt.u32 s9, $0xF7A;
	s5 =	simm.s32 @!p2 $0x0  }
0x1d: {  	s5 =	simm.s32 @p1 $0x1;
	p0 =	seq.s32 s7, s2  }
0x1e: {  	s7 =	smul.u32 @!p0 $0xF7A, s2;
	p2 =	seq.s32 @!p0 s5, $0x0  }
0x1f: {  	s9 =	smul.u32 $0xF7A, s1;
	s8 =	simm.s32 @!p0 $0x1BF5;
	p2 =	por !p2, p0  }
0x20: {  	[sflag:s8] =	ssyncset.s32 @!p0 $0xFFFFF086;
	s6 =	sadd.s32 @!p0 s3, s7;
	s7 =	simm.s32 @!p0 $0x108  }
0x21: {  	s3 =	sadd.s32 s3, s9;
	s6 =	sadd.s32 @!p0 $0x88, s6;
	s7 =	simm.s32 @p2 $0x1082  }
0x22: {  	[simem:s7], [sflag:s8] =	dma.local @!p0 [hbm:s6], $0xF7A  }
0x23: {  	s9 =	sor.u32 $0xD0000000, s2;
	s6 =	simm.s32 $0x108;
	_ =	swait.ge @!p0 [sflag:s8], $0x0  }
0x24: {  	s3 =	sadd.s32 $0x88, s3;
	s6 =	simm.s32 @!p1 $0x1082;
	[sflag:s4] =	ssyncset.s32 $0xFFFFF086  }
0x25: {  	[simem:s6], [sflag:s4] =	dma.local [hbm:s3], $0xF7A  }
0x26: {  	[smem:$0x3F9D] =	sst s1;
	(tag) =	ssettag s2;
	_ =	strace s9  }
0x27: {  	s1 =	sld [smem:$0x3FAD]  }
0x28: {  	s2 =	sld [smem:$0x3FAE]  }
0x29: {  	s4 =	sld [smem:$0x3FB0]  }
0x2a: {  	p0 =	seq.s32 s5, $0x0;
	s5 =	sld [smem:$0x3FB1]  }
0x2b: {  	s6 =	sld [smem:$0x3FB2]  }
0x2c: {  	s7 =	sld [smem:$0x3FB3]  }
0x2d: {  	s3 =	simm.s32 $0x108;
	s8 =	sld [smem:$0x3FB4]  }
0x2e: {  	s3 =	simm.s32 @!p0 $0x1082;
	s9 =	sld [smem:$0x3FB5]  }
0x2f: {  	lr =	sadd.s32 s0, s3;
	s0 =	sld [smem:$0x3FAC]  }
0x30: {  	s3 =	sld [smem:$0x3FAF]  }
0x31: {  	[smem:$0x3FB8] =	sst s10  }
0x32: {  	s10 =	sld [smem:$0x3FB6];
	_ =	sdelay $0x3  }
0x33: {  	p0 =	seq.s32 s10, $0x1;
	s10 =	sld [smem:$0x3FB8];
	_ =	sdelay $0x3  }
0x34: {  	[smem:$0x3FB8] =	sst s10  }
0x35: {  	s10 =	sld [smem:$0x3FB7];
	_ =	sdelay $0x3  }
0x36: {  	p1 =	seq.s32 s10, $0x1;
	s10 =	sld [smem:$0x3FB8];
	_ =	sdelay $0x3  }
0x37: {  	[smem:$0x3FB8] =	sst s10  }
0x38: {  	s10 =	sld [smem:$0x3FB9]  }
0x39: {  	_ = 	snop;
	(pc) =	sbr.ind lr, $3  }
0x3a: {  	_ = 	snop  }
0x3b: {  	_ = 	snop  }
0x3c: {  	p2 =	seq.s32 s10, $0x1;
	s10 =	sld [smem:$0x3FB8]  }
0x3d: {  	_ =	shalt  }
0x3e: {  	_ =	shalt  }
0x3f: {  	_ =	shalt  }
0x40: {  	_ =	shalt  }
0x41: {  	_ =	shalt  }
0x42: {  	_ =	shalt  }
0x43: {  	_ =	shalt  }
0x44: {  	_ =	shalt  }
0x45: {  	_ =	shalt  }
0x46: {  	_ =	shalt  }
0x47: {  	_ =	shalt  }
0x48: {  	_ =	shalt  }
0x49: {  	_ =	shalt  }
0x4a: {  	_ =	shalt  }
0x4b: {  	_ =	shalt  }
0x4c: {  	_ =	shalt  }
0x4d: {  	_ =	shalt  }
0x4e: {  	_ =	shalt  }
0x4f: {  	_ =	shalt  }
0x50: {  	_ =	shalt  }
0x51: {  	_ =	shalt  }
0x52: {  	_ =	shalt  }
0x53: {  	_ =	shalt  }
0x54: {  	_ =	shalt  }
0x55: {  	_ =	shalt  }
0x56: {  	_ =	shalt  }
0x57: {  	_ =	shalt  }
0x58: {  	_ =	shalt  }
0x59: {  	_ =	shalt  }
0x5a: {  	_ =	shalt  }
0x5b: {  	_ =	shalt  }
0x5c: {  	_ =	shalt  }
0x5d: {  	_ =	shalt  }
0x5e: {  	_ =	shalt  }
0x5f: {  	_ =	shalt  }
0x60: {  	_ =	shalt  }
0x61: {  	_ =	shalt  }
0x62: {  	_ =	shalt  }
0x63: {  	_ =	shalt  }
0x64: {  	_ =	shalt  }
0x65: {  	_ =	shalt  }
0x66: {  	_ =	shalt  }
0x67: {  	_ =	shalt  }
0x68: {  	_ =	shalt  }
0x69: {  	_ =	shalt  }
0x6a: {  	_ =	shalt  }
0x6b: {  	_ =	shalt  }
0x6c: {  	_ =	shalt  }
0x6d: {  	_ =	shalt  }
0x6e: {  	_ =	shalt  }
0x6f: {  	_ =	shalt  }
0x70: {  	_ =	shalt  }
0x71: {  	_ =	shalt  }
0x72: {  	_ =	shalt  }
0x73: {  	_ =	shalt  }
0x74: {  	_ =	shalt  }
0x75: {  	_ =	shalt  }
0x76: {  	_ =	shalt  }
0x77: {  	_ =	shalt  }
0x78: {  	_ =	shalt  }
0x79: {  	_ =	shalt  }
0x7a: {  	_ =	shalt  }
0x7b: {  	_ =	shalt  }
0x7c: {  	_ =	shalt  }
0x7d: {  	_ =	shalt  }
0x7e: {  	_ =	shalt  }
0x7f: {  	_ =	shalt  }
0x80: {  	_ =	shalt  }
0x81: {  	_ =	shalt  }
0x82: {  	_ =	shalt  }
0x83: {  	_ =	shalt  }
0x84: {  	_ =	shalt  }
0x85: {  	_ =	shalt  }
0x86: {  	_ =	shalt  }
0x87: {  	_ =	shalt  }
.Lfunc_end0:
.L_simem_size_0:
called_computation_lowered:
.L_overlay_start_0:
0x88: {  	s2 =	sld [smem:$0x3FD9]  }
0x89: {  	s3 =	sld [smem:$0x3FFE];
	_ =	sdelay $0x1  }
0x8a: {  	s1 =	srdreg.scid  }
0x8b: {  	s0 =	sand.u32 $0x1, s1  }
0x8c: {  	s17 =	sshll.u32 s0, $0xA;
	s2 =	sadd.s32 s3, s2  }
0x8d: {  	s2 =	sadd.s32 s2, s17  }
0x8e: {  	[smem:$0x3FC4] =	sst s2  }
0x8f: {  	_ = 	snop  }
0x90: {  	s2 =	sld [smem:$0x3FD0];
	(tm) =	ssettm $0x1  }
0x91: {  	s18 =	sld [smem:$0x3FFB];
	_ =	sdelay $0x3  }
0x92: {  	_ =	strace s18  }
0x93: {  	s3 =	sld [smem:$0x3FFC];
	_ =	sdelay $0x3  }
0x94: {  	_ =	strace s3  }
0x95: {  	s3 =	sld [smem:$0x3FFD];
	_ =	sdelay $0x3  }
0x96: {  	_ =	strace s3  }
0x97: {  	_ =	strace $0x8FFFFFFF  }
0x98: {  	s19 =	sld [smem:$0x3FDB];
	_ =	sdelay $0x1  }
0x99: {  	s4 =	simm.s32 $_scs_section_size  }
0x9a: {  	s5 =	simm.s32 $_size__tile_overlayer_lowered;
	s6 =	simm.s32 $_tile_overlayer_lowered  }
0x9b: {  	s22 =	simm.s32 $0x1BFF;
	s21 =	sshll.u32 s6, $0x1;
	s3 =	sadd.s32 s4, s19  }
0x9c: {  	s7 =	simm.s32 $0x0;
	s20 =	sshll.u32 s5, $0x1;
	s5 =	sadd.s32 s21, s3  }
0x9d: {  	[timem:s7], [sflag:s22] =	dma.local [hbm:s5], s20  }
0x9e: {  	_ =	swait.ge [sflag:s22], s20  }
0x9f: {  	s4 =	ssub.s32 $0x0, s20;
	[sflag:s22] =	ssyncset.done $0x0  }
0xa0: {  	[sflag:s22] =	ssyncadd.s32 s4;
	_ =	sdelay $0x1  }
0xa1: {  	s23 =	simm.s32 $0x1B8B  }
0xa2: {  	_ =	swait.ge [sflag:s23], $0x1  }
0xa3: {  	[sflag:s23] =	ssyncset.done $0x0  }
0xa4: {  	s25 =	simm.s32 $0x1B8E;
	s24 =	sld [smem:$0x3FFE];
	[sflag:s23] =	ssyncadd.s32 $0xFFFFFFFF  }
0xa5: {  	s26 =	simm.s32 $execute0_lowered;
	[smem:$0x3FD2] =	sst s25  }
0xa6: {  	s5 =	sshll.u32 s26, $0x1;
	_ =	strace $0x80000046;
	[dreg:$0x1] =	wrdreg $0xFFFFFFFF  }
0xa7: {  	s28 =	simm.s32 $_size_execute0_lowered;
	s3 =	sadd.s32 s3, s5;
	[dreg:$0x0] =	wrdreg $0x0  }
0xa8: {  	s5 =	sshll.u32 s28, $0x1;
	[dreg:$0x2] =	wrdreg s3  }
0xa9: {  	[dreg:$0x3] =	wrdreg s5  }
0xaa: {  	[dreg:$0x4] =	wrdreg $0xC0  }
0xab: {  	_ =	task [dreg:s7], $0x5FFFF  }
0xac: {  	[dreg:$0x1] =	wrdreg $0xFFFFFFFF  }
0xad: {  	[dreg:$0x0] =	wrdreg $0x60  }
0xae: {  	[dreg:$0x2] =	wrdreg s24  }
0xaf: {  	[dreg:$0x3] =	wrdreg s2  }
0xb0: {  	[dreg:$0x4] =	wrdreg $0x9  }
0xb1: {  	_ =	task.clear_ibuf [dreg:s7], $0x5FFFF;
	_ =	strace $0x90000046  }
0xb2: {  	s29 =	simm.s32 $0x9;
	_ =	strace $0x80000048  }
0xb3: {  	_ =	swait.ge [sflag:s29], $0x1  }
0xb4: {  	[sflag:s29] =	ssyncadd.s32 $0xFFFFFFFF  }
0xb5: {  	_ =	strace $0x90000048  }
0xb6: {  	_ =	sfence  }
0xb7: {  	s30 =	sld [smem:$0x0];
	_ =	sdelay $0x2  }
0xb8: {  	s31 =	sshll.u32 s1, $0xD;
	s1 =	sshrl.u32 s1, $0x2  }
0xb9: {  	s3 =	sand.u32 $0x4000, s31;
	s1 =	sadd.s32 s1, s30  }
0xba: {  	s0 =	sor.u32 s3, s0;
	s1 =	sshll.u32 s1, $0x11  }
0xbb: {  	s0 =	sor.u32 s1, s0  }
0xbc: {  	s0 =	sadd.s32 $0x8F2B, s0  }
0xbd: {  	[sflag:s0] =	ssyncadd.remote.s32 $0x1  }
0xbe: {  	_ =	sfence.sel $0xFFFF  }
0xbf: {  	[dreg:$0x0] =	wrdreg $0xFFFFFFFF;
	(pc) =	sbr.abs _section_cstart, $3  }
0xc0: {  	[dreg:$0x1] =	wrdreg $0xFFFFFFFF  }
0xc1: {  	_ =	task.clear_ibuf [dreg:s7], $0x2FFFF;
	_ =	strace $0x9FFFFFFF  }
0xc2: {  	(tm) =	ssettm $0x7FFFFFFF  }
0xc3: {  	_ =	shalt  }
tec
execute0_lowered:
.L_overlay_start_1:
0x0: {  	(tag) =	ssettag $0x1  }
0x1: {  	s0 =	rddreg [dreg:$0x0];
	s1 =	srdreg.scid  }
0x2: {  	s2 =	stileid.u32;
	s5 =	rddreg [dreg:$0x1]  }
0x3: {  	s7 =	simm.s32 $0x2;
	s8 =	simm.s32 $0x80;
	s30 =	simm.s32 $0x580  }
0x4: {  	s31 =	simm.s32 $0xBA00;
	s9 =	simm.s32 $0x680;
	s10 =	simm.s32 $0xDA00  }
0x5: {  	s11 =	simm.s32 $0x700;
	s12 =	simm.s32 $0xEA00;
	s13 =	simm.s32 $0x780  }
0x6: {  	s14 =	simm.s32 $0xFA00;
	s15 =	simm.s32 $0x800;
	s16 =	simm.s32 $0x10A00  }
0x7: {  	s17 =	simm.s32 $0x880;
	s18 =	simm.s32 $0x11A00;
	s19 =	simm.s32 $0x900  }
0x8: {  	s20 =	simm.s32 $0x12A00;
	s21 =	simm.s32 $0x980;
	s22 =	simm.s32 $0x13A00  }
0x9: {  	s23 =	simm.s32 $0x1;
	s1 =	sand.u32 $0x1, s1;
	s3 =	sshll.u32 s2, $0x1  }
0xa: {  	s24 =	simm.s32 $0x14A00;
	s2 =	simm.s32 $0x0;
	s6 =	sor.u32 s1, s3  }
0xb: {  	s25 =	simm.s32 $0x0;
	[smem:$0x7FF] =	sst s2;
	s3 =	smul.u32 $0x140, s6  }
0xc: {  	s1 =	ssub.s32 $0x2, s1;
	_ =	strace $0x80000047;
	s29 =	sshll.u32 s6, $0x9  }
0xd: {  	s28 =	sshrl.u32 s1, $0x1;
	s5 =	sadd.s32 s5, s29;
	s4 =	sadd.s32 s3, s0  }
0xe: {  	s3 =	sadd.s32 $0x3E00, s0;
	s0 =	ssub.s32 s1, s28;
	s1 =	simm.s32 $0x600  }
0xf: {  	s4 =	sadd.s32 $0x1600, s4;
	s6 =	smax.u32 s0, $0x1;
	s0 =	simm.s32 $0xCA00  }
.LBB2_1:
0x10: {  	[tilespmem:s2], [sflag:$0x2] =	stream.linear.gather [hbm4b:s4+s2], $0xA00, $0x38;
	[tilespmem:$0x15A00] =	vst v63  }
0x11: {  	_ =	swait.ge [sflag:s7], $0xA00  }
0x12: {  	[sflag:s7] =	ssyncset.done $0x0  }
0x13: {  	s26 =	simm.s32 $0xA00;
	[sflag:s7] =	ssyncadd.s32 $0xFFFFF600  }
0x14: {  	[tilespmem:s26], [sflag:$0x1] =	stream.indirect.gather [hbm4b:s3+s8], $0x20, s2, s8, $0xb8;
	[tilespmem:$0x15A00] =	vst v63  }
0x15: {  	s26 =	simm.s32 $0x1A00  }
0x16: {  	[tilespmem:s26], [sflag:$0x1] =	stream.indirect.gather [hbm4b:s3+s8], $0x20, s8, s8, $0xb8;
	[tilespmem:$0x15A00] =	vst v63  }
0x17: {  	s28 =	simm.s32 $0x2A00;
	s26 =	simm.s32 $0x100  }
0x18: {  	[tilespmem:s28], [sflag:$0x1] =	stream.indirect.gather [hbm4b:s3+s8], $0x20, s26, s8, $0xb8;
	[tilespmem:$0x15A00] =	vst v63  }
0x19: {  	s26 =	simm.s32 $0x180;
	s28 =	simm.s32 $0x3A00  }
0x1a: {  	[tilespmem:s28], [sflag:$0x1] =	stream.indirect.gather [hbm4b:s3+s8], $0x20, s26, s8, $0xb8;
	[tilespmem:$0x15A00] =	vst v63  }
0x1b: {  	s26 =	simm.s32 $0x200;
	s28 =	simm.s32 $0x4A00  }
0x1c: {  	[tilespmem:s28], [sflag:$0x1] =	stream.indirect.gather [hbm4b:s3+s8], $0x20, s26, s8, $0xb8;
	[tilespmem:$0x15A00] =	vst v63  }
0x1d: {  	s26 =	simm.s32 $0x280;
	s28 =	simm.s32 $0x5A00  }
0x1e: {  	[tilespmem:s28], [sflag:$0x1] =	stream.indirect.gather [hbm4b:s3+s8], $0x20, s26, s8, $0xb8;
	[tilespmem:$0x15A00] =	vst v63  }
0x1f: {  	s26 =	simm.s32 $0x300;
	s28 =	simm.s32 $0x6A00  }
0x20: {  	[tilespmem:s28], [sflag:$0x1] =	stream.indirect.gather [hbm4b:s3+s8], $0x20, s26, s8, $0xb8;
	[tilespmem:$0x15A00] =	vst v63  }
0x21: {  	s26 =	simm.s32 $0x380;
	s28 =	simm.s32 $0x7A00  }
0x22: {  	[tilespmem:s28], [sflag:$0x1] =	stream.indirect.gather [hbm4b:s3+s8], $0x20, s26, s8, $0xb8;
	[tilespmem:$0x15A00] =	vst v63  }
0x23: {  	s26 =	simm.s32 $0x400;
	s28 =	simm.s32 $0x8A00  }
0x24: {  	[tilespmem:s28], [sflag:$0x1] =	stream.indirect.gather [hbm4b:s3+s8], $0x20, s26, s8, $0xb8;
	[tilespmem:$0x15A00] =	vst v63  }
0x25: {  	s26 =	simm.s32 $0x480;
	s28 =	simm.s32 $0x9A00  }
0x26: {  	[tilespmem:s28], [sflag:$0x1] =	stream.indirect.gather [hbm4b:s3+s8], $0x20, s26, s8, $0xb8;
	[tilespmem:$0x15A00] =	vst v63  }
0x27: {  	s26 =	simm.s32 $0x500;
	s28 =	simm.s32 $0xAA00  }
0x28: {  	[tilespmem:s28], [sflag:$0x1] =	stream.indirect.gather [hbm4b:s3+s8], $0x20, s26, s8, $0xb8;
	[tilespmem:$0x15A00] =	vst v63  }
0x29: {  	_ = 	snop  }
0x2a: {  	[tilespmem:s31], [sflag:$0x1] =	stream.indirect.gather [hbm4b:s3+s8], $0x20, s30, s8, $0xb8;
	[tilespmem:$0x15A00] =	vst v63  }
0x2b: {  	_ = 	snop  }
0x2c: {  	[tilespmem:s0], [sflag:$0x1] =	stream.indirect.gather [hbm4b:s3+s8], $0x20, s1, s8, $0xb8;
	[tilespmem:$0x15A00] =	vst v63  }
0x2d: {  	_ = 	snop  }
0x2e: {  	[tilespmem:s10], [sflag:$0x1] =	stream.indirect.gather [hbm4b:s3+s8], $0x20, s9, s8, $0xb8;
	[tilespmem:$0x15A00] =	vst v63  }
0x2f: {  	_ = 	snop  }
0x30: {  	[tilespmem:s12], [sflag:$0x1] =	stream.indirect.gather [hbm4b:s3+s8], $0x20, s11, s8, $0xb8;
	[tilespmem:$0x15A00] =	vst v63  }
0x31: {  	_ = 	snop  }
0x32: {  	[tilespmem:s14], [sflag:$0x1] =	stream.indirect.gather [hbm4b:s3+s8], $0x20, s13, s8, $0xb8;
	[tilespmem:$0x15A00] =	vst v63  }
0x33: {  	_ = 	snop  }
0x34: {  	[tilespmem:s16], [sflag:$0x1] =	stream.indirect.gather [hbm4b:s3+s8], $0x20, s15, s8, $0xb8;
	[tilespmem:$0x15A00] =	vst v63  }
0x35: {  	_ = 	snop  }
0x36: {  	[tilespmem:s18], [sflag:$0x1] =	stream.indirect.gather [hbm4b:s3+s8], $0x20, s17, s8, $0xb8;
	[tilespmem:$0x15A00] =	vst v63  }
0x37: {  	_ = 	snop  }
0x38: {  	[tilespmem:s20], [sflag:$0x1] =	stream.indirect.gather [hbm4b:s3+s8], $0x20, s19, s8, $0xb8;
	[tilespmem:$0x15A00] =	vst v63  }
0x39: {  	_ = 	snop  }
0x3a: {  	[tilespmem:s22], [sflag:$0x1] =	stream.indirect.gather [hbm4b:s3+s8], $0x20, s21, s8, $0xb8;
	[tilespmem:$0x15A00] =	vst v63  }
0x3b: {  	_ =	swait.ge [sflag:s23], $0x1000  }
0x3c: {  	[sflag:s23] =	ssyncset.done $0x0  }
0x3d: {  	[sflag:s23] =	ssyncadd.s32 $0xFFFFF000  }
0x3e: {  	_ =	swait.ge [sflag:s23], $0x1000  }
0x3f: {  	[sflag:s23] =	ssyncset.done $0x0  }
0x40: {  	[sflag:s23] =	ssyncadd.s32 $0xFFFFF000  }
0x41: {  	_ =	swait.ge [sflag:s23], $0x1000  }
0x42: {  	[sflag:s23] =	ssyncset.done $0x0  }
0x43: {  	[sflag:s23] =	ssyncadd.s32 $0xFFFFF000  }
0x44: {  	_ =	swait.ge [sflag:s23], $0x1000  }
0x45: {  	[sflag:s23] =	ssyncset.done $0x0  }
0x46: {  	[sflag:s23] =	ssyncadd.s32 $0xFFFFF000  }
0x47: {  	_ =	swait.ge [sflag:s23], $0x1000  }
0x48: {  	[sflag:s23] =	ssyncset.done $0x0  }
0x49: {  	[sflag:s23] =	ssyncadd.s32 $0xFFFFF000  }
0x4a: {  	_ =	swait.ge [sflag:s23], $0x1000  }
0x4b: {  	[sflag:s23] =	ssyncset.done $0x0  }
0x4c: {  	[sflag:s23] =	ssyncadd.s32 $0xFFFFF000  }
0x4d: {  	_ =	swait.ge [sflag:s23], $0x1000  }
0x4e: {  	[sflag:s23] =	ssyncset.done $0x0  }
0x4f: {  	[sflag:s23] =	ssyncadd.s32 $0xFFFFF000  }
0x50: {  	_ =	swait.ge [sflag:s23], $0x1000  }
0x51: {  	[sflag:s23] =	ssyncset.done $0x0  }
0x52: {  	[sflag:s23] =	ssyncadd.s32 $0xFFFFF000  }
0x53: {  	_ =	swait.ge [sflag:s23], $0x1000  }
0x54: {  	[sflag:s23] =	ssyncset.done $0x0  }
0x55: {  	[sflag:s23] =	ssyncadd.s32 $0xFFFFF000  }
0x56: {  	_ =	swait.ge [sflag:s23], $0x1000  }
0x57: {  	[sflag:s23] =	ssyncset.done $0x0  }
0x58: {  	[sflag:s23] =	ssyncadd.s32 $0xFFFFF000  }
0x59: {  	_ =	swait.ge [sflag:s23], $0x1000  }
0x5a: {  	[sflag:s23] =	ssyncset.done $0x0  }
0x5b: {  	[sflag:s23] =	ssyncadd.s32 $0xFFFFF000  }
0x5c: {  	_ =	swait.ge [sflag:s23], $0x1000  }
0x5d: {  	[sflag:s23] =	ssyncset.done $0x0  }
0x5e: {  	[sflag:s23] =	ssyncadd.s32 $0xFFFFF000  }
0x5f: {  	_ =	swait.ge [sflag:s23], $0x1000  }
0x60: {  	[sflag:s23] =	ssyncset.done $0x0  }
0x61: {  	[sflag:s23] =	ssyncadd.s32 $0xFFFFF000  }
0x62: {  	_ =	swait.ge [sflag:s23], $0x1000  }
0x63: {  	[sflag:s23] =	ssyncset.done $0x0  }
0x64: {  	[sflag:s23] =	ssyncadd.s32 $0xFFFFF000  }
0x65: {  	_ =	swait.ge [sflag:s23], $0x1000  }
0x66: {  	[sflag:s23] =	ssyncset.done $0x0  }
0x67: {  	[sflag:s23] =	ssyncadd.s32 $0xFFFFF000  }
0x68: {  	_ =	swait.ge [sflag:s23], $0x1000  }
0x69: {  	[sflag:s23] =	ssyncset.done $0x0  }
0x6a: {  	[sflag:s23] =	ssyncadd.s32 $0xFFFFF000  }
0x6b: {  	_ =	swait.ge [sflag:s23], $0x1000  }
0x6c: {  	[sflag:s23] =	ssyncset.done $0x0  }
0x6d: {  	[sflag:s23] =	ssyncadd.s32 $0xFFFFF000  }
0x6e: {  	_ =	swait.ge [sflag:s23], $0x1000  }
0x6f: {  	[sflag:s23] =	ssyncset.done $0x0  }
0x70: {  	[sflag:s23] =	ssyncadd.s32 $0xFFFFF000  }
0x71: {  	_ =	swait.ge [sflag:s23], $0x1000  }
0x72: {  	[sflag:s23] =	ssyncset.done $0x0  }
0x73: {  	[sflag:s23] =	ssyncadd.s32 $0xFFFFF000  }
0x74: {  	_ =	swait.ge [sflag:s23], $0x1000  }
0x75: {  	[sflag:s23] =	ssyncset.done $0x0  }
0x76: {  	s26 =	simm.s32 $0xB40;
	[sflag:s23] =	ssyncadd.s32 $0xFFFFF000  }
0x77: {  	v0 =	vld [tilespmem:s26+$0xFFFFFEC0]  }
0x78: {  	v1 =	vld [tilespmem:s26+$0xFFFFFED0]  }
0x79: {  	v2 =	vld [tilespmem:s26+$0xFFFFFEE0]  }
0x7a: {  	v3 =	vld [tilespmem:s26+$0xFFFFFEF0]  }
0x7b: {  	v4 =	vld [tilespmem:s26+$0xFFFFFF00]  }
0x7c: {  	v5 =	vld [tilespmem:s26+$0xFFFFFF10];
	v0 =	vadd.f32 $0.0e+00, v0  }
0x7d: {  	v6 =	vld [tilespmem:s26+$0xFFFFFF20]  }
0x7e: {  	v7 =	vld [tilespmem:s26+$0xFFFFFF40];
	v1 =	vadd.f32 $0.0e+00, v1;
	v0 =	vadd.f32 v2, v0  }
0x7f: {  	v2 =	vld [tilespmem:s26+$0xFFFFFF30]  }
0x80: {  	v44 =	vld [tilespmem:s26+$0xFFFFFF60];
	v1 =	vadd.f32 v3, v1;
	v0 =	vadd.f32 v4, v0  }
0x81: {  	v3 =	vld [tilespmem:s26+$0xFFFFFF50]  }
0x82: {  	v45 =	vld [tilespmem:s26+$0xFFFFFF70];
	v1 =	vadd.f32 v5, v1;
	v0 =	vadd.f32 v6, v0  }
0x83: {  	v46 =	vld [tilespmem:s26+$0xFFFFFF80]  }
0x84: {  	v47 =	vld [tilespmem:s26+$0xFFFFFFA0];
	v1 =	vadd.f32 v2, v1;
	v0 =	vadd.f32 v7, v0  }
0x85: {  	v2 =	vld [tilespmem:s26+$0xFFFFFF90]  }
0x86: {  	v48 =	vld [tilespmem:s26+$0xFFFFFFC0];
	v1 =	vadd.f32 v3, v1;
	v0 =	vadd.f32 v44, v0  }
0x87: {  	v3 =	vld [tilespmem:s26+$0xFFFFFFB0]  }
0x88: {  	v49 =	vld [tilespmem:s26+$0xFFFFFFD0];
	v1 =	vadd.f32 v45, v1;
	v0 =	vadd.f32 v46, v0  }
0x89: {  	v50 =	vld [tilespmem:s26+$0xFFFFFFE0]  }
0x8a: {  	v51 =	vld [tilespmem:s26+$0x0];
	v1 =	vadd.f32 v2, v1;
	v0 =	vadd.f32 v47, v0  }
0x8b: {  	v2 =	vld [tilespmem:s26+$0xFFFFFFF0]  }
0x8c: {  	v52 =	vld [tilespmem:s26+$0x20];
	v1 =	vadd.f32 v3, v1;
	v0 =	vadd.f32 v48, v0  }
0x8d: {  	v3 =	vld [tilespmem:s26+$0x10]  }
0x8e: {  	v53 =	vld [tilespmem:s26+$0x30];
	v1 =	vadd.f32 v49, v1;
	v0 =	vadd.f32 v50, v0  }
0x8f: {  	v54 =	vld [tilespmem:s26+$0x40]  }
0x90: {  	v55 =	vld [tilespmem:s26+$0x60];
	v1 =	vadd.f32 v2, v1;
	v0 =	vadd.f32 v51, v0  }
0x91: {  	v2 =	vld [tilespmem:s26+$0x50]  }
0x92: {  	v56 =	vld [tilespmem:s26+$0x80];
	v1 =	vadd.f32 v3, v1;
	v0 =	vadd.f32 v52, v0  }
0x93: {  	v3 =	vld [tilespmem:s26+$0x70]  }
0x94: {  	v57 =	vld [tilespmem:s26+$0x90];
	v1 =	vadd.f32 v53, v1;
	v0 =	vadd.f32 v54, v0  }
0x95: {  	v58 =	vld [tilespmem:s26+$0xA0]  }
0x96: {  	v59 =	vld [tilespmem:s26+$0xC0];
	v1 =	vadd.f32 v2, v1;
	v0 =	vadd.f32 v55, v0  }
0x97: {  	v2 =	vld [tilespmem:s26+$0xB0]  }
0x98: {  	v60 =	vld [tilespmem:s26+$0xE0];
	v1 =	vadd.f32 v3, v1;
	v0 =	vadd.f32 v56, v0  }
0x99: {  	v3 =	vld [tilespmem:s26+$0xD0]  }
0x9a: {  	v61 =	vld [tilespmem:s26+$0xF0];
	v1 =	vadd.f32 v57, v1;
	v0 =	vadd.f32 v58, v0  }
0x9b: {  	v62 =	vld [tilespmem:s26+$0x100]  }
0x9c: {  	v63 =	vld [tilespmem:s26+$0x120];
	v1 =	vadd.f32 v2, v1;
	v0 =	vadd.f32 v59, v0  }
0x9d: {  	v2 =	vld [tilespmem:s26+$0x110]  }
0x9e: {  	v1 =	vadd.f32 v3, v1;
	v0 =	vadd.f32 v60, v0  }
0x9f: {  	v3 =	vld [tilespmem:s26+$0x130]  }
0xa0: {  	v1 =	vadd.f32 v61, v1;
	v0 =	vadd.f32 v62, v0;
	_ =	sdelay $0x1  }
0xa1: {  	v1 =	vadd.f32 v2, v1;
	v2 =	vadd.f32 v63, v0  }
0xa2: {  	s29 =	simm.s32 $0x0  }
0xa3: {  	s28 =	simm.s32 $0x80;
	v0 =	vadd.f32 v3, v1;
	[tilespmem:s29+$0x14A00] =	vst v2  }
.LBB2_2:
0xa4: {  	p0 =	sne.s32 s28, $0x3F80  }
0xa5: {  	[tilespmem:s29+$0x14A10] =	vst v0;
	s26 =	sadd.s32 $0x280, s26;
	s29 =	smov.u32 s28;
	s28 =	sadd.s32 $0x80, s28  }
0xa6: {  	v0 =	vld [tilespmem:s26+$0xFFFFFEC0]  }
0xa7: {  	v1 =	vld [tilespmem:s26+$0xFFFFFED0]  }
0xa8: {  	v2 =	vld [tilespmem:s26+$0xFFFFFEE0]  }
0xa9: {  	v3 =	vld [tilespmem:s26+$0xFFFFFEF0]  }
0xaa: {  	v4 =	vld [tilespmem:s26+$0xFFFFFF00]  }
0xab: {  	v0 =	vadd.f32 $0.0e+00, v0;
	v5 =	vld [tilespmem:s26+$0xFFFFFF10]  }
0xac: {  	v1 =	vadd.f32 $0.0e+00, v1;
	v6 =	vld [tilespmem:s26+$0xFFFFFF20]  }
0xad: {  	v0 =	vadd.f32 v2, v0;
	v2 =	vld [tilespmem:s26+$0xFFFFFF30]  }
0xae: {  	v1 =	vadd.f32 v3, v1;
	v3 =	vld [tilespmem:s26+$0xFFFFFF40]  }
0xaf: {  	v0 =	vadd.f32 v4, v0;
	v4 =	vld [tilespmem:s26+$0xFFFFFF50]  }
0xb0: {  	v1 =	vadd.f32 v5, v1;
	v5 =	vld [tilespmem:s26+$0xFFFFFF60]  }
0xb1: {  	v0 =	vadd.f32 v6, v0;
	v6 =	vld [tilespmem:s26+$0xFFFFFF70]  }
0xb2: {  	v1 =	vadd.f32 v2, v1;
	v2 =	vld [tilespmem:s26+$0xFFFFFF80]  }
0xb3: {  	v0 =	vadd.f32 v3, v0;
	v3 =	vld [tilespmem:s26+$0xFFFFFF90]  }
0xb4: {  	v1 =	vadd.f32 v4, v1;
	v4 =	vld [tilespmem:s26+$0xFFFFFFA0]  }
0xb5: {  	v0 =	vadd.f32 v5, v0;
	v5 =	vld [tilespmem:s26+$0xFFFFFFB0]  }
0xb6: {  	v1 =	vadd.f32 v6, v1;
	v6 =	vld [tilespmem:s26+$0xFFFFFFC0]  }
0xb7: {  	v0 =	vadd.f32 v2, v0;
	v2 =	vld [tilespmem:s26+$0xFFFFFFD0]  }
0xb8: {  	v1 =	vadd.f32 v3, v1;
	v3 =	vld [tilespmem:s26+$0xFFFFFFE0]  }
0xb9: {  	v0 =	vadd.f32 v4, v0;
	v4 =	vld [tilespmem:s26+$0xFFFFFFF0]  }
0xba: {  	v1 =	vadd.f32 v5, v1;
	v5 =	vld [tilespmem:s26+$0x0]  }
0xbb: {  	v0 =	vadd.f32 v6, v0;
	v6 =	vld [tilespmem:s26+$0x10]  }
0xbc: {  	v1 =	vadd.f32 v2, v1;
	v2 =	vld [tilespmem:s26+$0x20]  }
0xbd: {  	v0 =	vadd.f32 v3, v0;
	v3 =	vld [tilespmem:s26+$0x30]  }
0xbe: {  	v1 =	vadd.f32 v4, v1;
	v4 =	vld [tilespmem:s26+$0x40]  }
0xbf: {  	v0 =	vadd.f32 v5, v0;
	v5 =	vld [tilespmem:s26+$0x50]  }
0xc0: {  	v1 =	vadd.f32 v6, v1;
	v6 =	vld [tilespmem:s26+$0x60]  }
0xc1: {  	v0 =	vadd.f32 v2, v0;
	v2 =	vld [tilespmem:s26+$0x70]  }
0xc2: {  	v1 =	vadd.f32 v3, v1;
	v3 =	vld [tilespmem:s26+$0x80]  }
0xc3: {  	v0 =	vadd.f32 v4, v0;
	v4 =	vld [tilespmem:s26+$0x90]  }
0xc4: {  	v1 =	vadd.f32 v5, v1;
	v5 =	vld [tilespmem:s26+$0xA0]  }
0xc5: {  	v0 =	vadd.f32 v6, v0;
	v6 =	vld [tilespmem:s26+$0xB0]  }
0xc6: {  	v1 =	vadd.f32 v2, v1;
	v2 =	vld [tilespmem:s26+$0xC0]  }
0xc7: {  	v0 =	vadd.f32 v3, v0;
	v3 =	vld [tilespmem:s26+$0xD0]  }
0xc8: {  	v1 =	vadd.f32 v4, v1;
	v4 =	vld [tilespmem:s26+$0xE0]  }
0xc9: {  	v0 =	vadd.f32 v5, v0;
	v5 =	vld [tilespmem:s26+$0xF0]  }
0xca: {  	v1 =	vadd.f32 v6, v1;
	v6 =	vld [tilespmem:s26+$0x100]  }
0xcb: {  	v0 =	vadd.f32 v2, v0;
	v2 =	vld [tilespmem:s26+$0x110]  }
0xcc: {  	v1 =	vadd.f32 v3, v1;
	v3 =	vld [tilespmem:s26+$0x120]  }
0xcd: {  	v0 =	vadd.f32 v4, v0;
	v4 =	vld [tilespmem:s26+$0x130]  }
0xce: {  	v1 =	vadd.f32 v5, v1  }
.Ltmp0:
0xcf: {  	v0 =	vadd.f32 v6, v0;
	(pc) =	sbr.rel @p0 .LBB2_2-.Ltmp0, $4  }
0xd0: {  	v1 =	vadd.f32 v2, v1  }
0xd1: {  	v2 =	vadd.f32 v3, v0  }
0xd2: {  	s29 =	sshra.s32 s29, $0x2;
	v0 =	vadd.f32 v4, v1  }
0xd3: {  	[tilespmem:s29+$0x14A00] =	vst v2  }
0xd4: {  	s25 =	sadd.s32 $0x1, s25  }
0xd5: {  	p0 =	sne.s32 s25, s6  }
.Ltmp1:
0xd6: {  	[tilespmem:s29+$0x14A10] =	vst v0;
	(pc) =	sbr.rel @p0 .LBB2_1-.Ltmp1, $4  }
0xd7: {  	[hbm4b:s5+s2] =	stream.linear.scatter [tilespmem:s24], [sflag:$0x2], $0x1000, $0x38;
	[tilespmem:$0x15A00] =	vst v63  }
0xd8: {  	_ =	swait.ge [sflag:s7], $0x1000  }
0xd9: {  	[sflag:s7] =	ssyncset.done $0x0  }
0xda: {  	[sflag:s7] =	ssyncadd.s32 $0xFFFFF000  }
0xdb: {  	_ =	sfence.sel $0x180000  }
0xdc: {  	[bflag:$0x0] =	sbarrier.arrive $0xFFFF  }
0xdd: {  	_ =	strace $0x90000047  }
0xde: {  	s0 =	stileid.u32;
	[bflag:$0x2] =	sbarrier.arrive $0xFFFF  }
0xdf: {  	p0 =	sne.s32 s0, $0x0;
	s0 =	rddreg [dreg:$0x2]  }
0xe0: {  	s0 =	sadd.s32 @!p0 $0x100000, s0  }
0xe1: {  	[sflag:s0] =	ssyncadd.tile.s32 @!p0 $0x1;
	_ =	shalt  }
.Lfunc_end2:
_tile_overlayer_lowered:
.L_overlay_start_2:
0xe2: {  	(tag) =	ssettag $0x2  }
0xe3: {  	s0 =	rddreg [dreg:$0x0];
	s2 =	stileid.u32  }
0xe4: {  	s1 =	rddreg [dreg:$0x1];
	p0 =	sne.s32 s2, $0x0  }
0xe5: {  	s3 =	rddreg [dreg:$0x2];
	[bflag:$0x3] =	sbarrier.arrive $0xFFFF;
	s2 =	simm.s32 @!p0 $0x1C02  }
0xe6: {  	[timem:s3], [sflag:s2] =	dma.local @!p0 [hbm:s0], s1  }
0xe7: {  	s0 =	simm.s32 @!p0 $0x2  }
0xe8: {  	_ =	swait.ge @!p0 [sflag:s0], s1  }
0xe9: {  	s1 =	ssub.s32 @!p0 $0x0, s1;
	[sflag:s0] =	ssyncset.done @!p0 $0x0  }
0xea: {  	[sflag:s0] =	ssyncadd.s32 @!p0 s1  }
0xeb: {  	[bflag:$0x3] =	sbarrier.arrive $0xFFFF  }
0xec: {  	_ =	shalt  }

</sc_bundles>
